<compile_context>
chip_gen: v7x
topology: tpu7x:2x2x1
jax: 0.10.2.dev20260603
libtpu: 0.0.44.dev20260713+nightly
codegen_flags: <defaults>
</compile_context>

<pallas_src>
import functools

import jax
import jax.numpy as jnp
from jax import lax
from jax.experimental import pallas as pl
from jax.experimental.pallas import tpu as pltpu
from jax.experimental.pallas import tpu_sc as plsc

Q = 512
HW = 256
C = 128
ROWS = 16

NC = 2
NS = 16
L = 16
NW = NC * NS
QPW = Q // NW

_SC_MESH = plsc.VectorSubcoreMesh(
    core_axis_name="c", subcore_axis_name="s", num_cores=NC, num_subcores=NS)


def _lane_bcast(vec, lane):
    sel = jnp.full((L,), lane, jnp.int32)
    return vec.at[sel].get(mode="promise_in_bounds")


@functools.partial(
    pl.kernel,
    out_type=jax.ShapeDtypeStruct((Q,), jnp.int32),
    mesh=_SC_MESH,
    scratch_types=[
        pltpu.VMEM((2 * QPW,), jnp.float32),
        pltpu.VMEM((HW,), jnp.float32),
        pltpu.VMEM((HW,), jnp.float32),
        pltpu.VMEM((QPW,), jnp.int32),
        pltpu.SemaphoreType.DMA,
    ],
)
def _sc_nn_search(coords_hbm, out_hbm, qc_v, gx_v, gy_v, idx_v, sem):
    wid = lax.axis_index("s") * NC + lax.axis_index("c")
    base = wid * QPW
    cp_q = pltpu.make_async_copy(
        coords_hbm.at[pl.ds(2 * base, 2 * QPW)], qc_v, sem)
    cp_x = pltpu.make_async_copy(coords_hbm.at[pl.ds(2 * Q, HW)], gx_v, sem)
    cp_y = pltpu.make_async_copy(
        coords_hbm.at[pl.ds(2 * Q + HW, HW)], gy_v, sem)
    cp_q.start()
    cp_x.start()
    cp_y.start()
    cp_q.wait()
    cp_x.wait()
    cp_y.wait()

    lanes = lax.iota(jnp.int32, L)
    v0 = qc_v[pl.ds(0, L)]
    v1 = qc_v[pl.ds(L, L)]
    lo = lanes < (L // 2)
    sel_lo = jnp.where(lo, 2 * lanes, 0)
    sel_hi = jnp.where(lo, 0, 2 * lanes - L)
    qxv = jnp.where(lo, v0.at[sel_lo].get(mode="promise_in_bounds"),
                    v1.at[sel_hi].get(mode="promise_in_bounds"))
    qyv = jnp.where(lo, v0.at[sel_lo + 1].get(mode="promise_in_bounds"),
                    v1.at[sel_hi + 1].get(mode="promise_in_bounds"))

    def chunk(ck, carry):
        bd, bi = carry
        gxc = gx_v[pl.ds(ck * L, L)]
        gyc = gy_v[pl.ds(ck * L, L)]
        for j in range(L):
            dx = qxv - _lane_bcast(gxc, j)
            dy = qyv - _lane_bcast(gyc, j)
            d2 = dx * dx + dy * dy
            better = d2 < bd
            cs = jnp.full((L,), ck * L + j, jnp.int32)
            bd = jnp.where(better, d2, bd)
            bi = jnp.where(better, cs, bi)
        return bd, bi

    _, bi = lax.fori_loop(
        0, HW // L, chunk,
        (jnp.full((L,), jnp.inf, jnp.float32), jnp.zeros((L,), jnp.int32)))

    idx_v[...] = bi
    pltpu.sync_copy(idx_v, out_hbm.at[pl.ds(base, QPW)])


def _bcast_body(idx_ref, gf_ref, out_ref, feat_ref):
    @pl.when(pl.program_id(0) == 0)
    def _gather():
        onehot_t = (idx_ref[...][None, :] == jax.lax.broadcasted_iota(
            jnp.int32, (HW, Q), 0)).astype(jnp.float32)
        feat_ref[...] = lax.dot_general(
            onehot_t, gf_ref[...], (((0,), (1,)), ((), ())),
            preferred_element_type=jnp.float32,
            precision=jax.lax.Precision.HIGHEST)
    out_ref[...] = jnp.broadcast_to(feat_ref[...][None], (ROWS, Q, C))


def kernel(grid_features, grid_coords, query_coords, N):
    gf = grid_features.reshape(C, HW)
    coords = jnp.concatenate(
        [query_coords.reshape(2 * Q), grid_coords.reshape(2 * HW)])
    idx = _sc_nn_search(coords)
    out = pl.pallas_call(
        _bcast_body,
        grid=(Q // ROWS,),
        in_specs=[
            pl.BlockSpec((Q,), lambda i: (0,)),
            pl.BlockSpec((C, HW), lambda i: (0, 0)),
        ],
        out_specs=pl.BlockSpec((ROWS, Q, C), lambda i: (i, 0, 0)),
        out_shape=jax.ShapeDtypeStruct((Q, Q, C), jnp.float32),
        scratch_shapes=[pltpu.VMEM((Q, C), jnp.float32)],
    )(idx, gf)
    return out.reshape(1, Q, 1, Q, 1, C)

# --- scband reference (transcript-rebuilt; emitter-appended) ---
"""Pipeline reference for scband-feature-grid-73031623901832 (READ-ONLY COPY).

The authoritative reference and input builder live on the scoring server;
editing this copy changes nothing except your own understanding.
"""

import jax, jax.numpy as jnp
import numpy as np


def setup_inputs(seed: int = 0) -> dict:
    key = jax.random.key(seed)
    k1, k2, k3 = jax.random.split(key, 3)
    grid_features = jax.random.normal(k1, (1, 128, 16, 16), dtype=jnp.float32)
    grid_coords = jax.random.normal(k2, (1, 2, 16, 16), dtype=jnp.float32)
    query_coords = jax.random.normal(k3, (512, 2), dtype=jnp.float32)
    return {
        "grid_features": grid_features,
        "grid_coords": grid_coords,
        "query_coords": query_coords,
        "N": 1,
    }


def reference(grid_features, grid_coords, query_coords, N):
    # Faithful translation of FeatureGrid.nearest_features (torch semantics)
    gf = jnp.transpose(grid_features, (0, 2, 3, 1))  # (B, H, W, C)
    gc = jnp.transpose(grid_coords, (0, 2, 3, 1))    # (B, H, W, 2)
    B, H, W, C = gf.shape
    N_static = gf.shape[0]
    gcf = gc.reshape(B, -1, 2)                        # (B, HW, 2)
    # torch.cdist(query (Q,2), grid (B,HW,2), p=2) -> (B, Q, HW)
    diff = query_coords[None, :, None, :] - gcf[:, None, :, :]
    distances = jnp.sqrt(jnp.sum(diff * diff, axis=-1))
    # torch.topk(distances, k=N, largest=False).indices -> smallest-N indices
    _, nearest_indices = jax.lax.top_k(-distances, N_static)  # (B, Q, N)
    nearest_indices = nearest_indices + (N - N)
    gff = gf.reshape(-1, C)                            # (B*HW, C)
    nf = gff[nearest_indices]                          # (B, Q, N, C)
    # torch: distances.gather(1, nearest_indices): out[b,q,n] = distances[b, idx[b,q,n], n]
    b_idx = jnp.arange(B)[:, None, None]
    n_idx = jnp.arange(N_static)[None, None, :]
    nearest_dists = distances[b_idx, nearest_indices, n_idx]  # (B, Q, N)
    idx = jnp.argsort(nearest_dists, axis=-1)                 # (B, Q, N)
    # torch: nearest_features[idx] indexes dim 0 -> shape idx.shape + nf.shape[1:]
    nf = nf[idx]                                              # (B, Q, N, Q, N, C)
    return nf


if False:  # reference __main__ guard neutralized (emitter)
    out = reference(**setup_inputs())
    print(out.shape)

if __name__ == "__main__":
    import jax
    _d = setup_inputs()
    print(jax.jit(kernel)(*tuple(_d.values())))

</pallas_src>

<mosaic_0001>
#map = affine_map<(d0, d1) -> (0)>
module attributes {stable_mosaic.version = 14 : i64} {
  func.func @_sc_nn_search(%arg0: i32, %arg1: i32, %arg2: memref<1536xf32, #tpu.memory_space<hbm>>, %arg3: memref<512xi32, #tpu.memory_space<hbm>>, %arg4: memref<32xf32, #tpu.memory_space<vmem>>, %arg5: memref<256xf32, #tpu.memory_space<vmem>>, %arg6: memref<256xf32, #tpu.memory_space<vmem>>, %arg7: memref<16xi32, #tpu.memory_space<vmem>>, %arg8: memref<!tpu.dma_semaphore, #tpu.memory_space<semaphore_mem>>) attributes {dimension_semantics = [#tpu.dimension_semantics<core_parallel>, #tpu.dimension_semantics<subcore_parallel>], iteration_bounds = array<i64: 2, 16>, scalar_prefetch = 0 : i64, scratch_operands = 5 : i64, tpu.core_type = #tpu.core_type<sc_vector_subcore>, window_params = [{transform_indices = #map}, {transform_indices = #map}]} {
    %mul3A = arith.constant 2 : i32
    %mul3A_0 = arith.muli %arg1, %mul3A : i32
    %add3A = arith.addi %mul3A_0, %arg0 : i32
    %mul3A_1 = arith.constant 16 : i32
    %mul3A_2 = arith.muli %add3A, %mul3A_1 : i32
    %mul3A_3 = arith.constant 2 : i32
    %mul3A_4 = arith.muli %mul3A_3, %mul3A_2 : i32
    %dma_start3A = tpu.memref_slice %arg2[%mul3A_4] : memref<1536xf32, #tpu.memory_space<hbm>> -> memref<32xf32, #tpu.memory_space<hbm>>
    %dma_start3A_5 = tpu.memref_slice %arg2[%mul3A_4] : memref<1536xf32, #tpu.memory_space<hbm>> -> memref<32xf32, #tpu.memory_space<hbm>>
    tpu.enqueue_dma source(%dma_start3A_5 : memref<32xf32, #tpu.memory_space<hbm>>) target(%arg4 : memref<32xf32, #tpu.memory_space<vmem>>) target_semaphore(%arg8 : memref<!tpu.dma_semaphore, #tpu.memory_space<semaphore_mem>>)
    %dma_start3A_6 = arith.constant 1024 : i32
    %dma_start3A_7 = tpu.memref_slice %arg2[%dma_start3A_6] : memref<1536xf32, #tpu.memory_space<hbm>> -> memref<256xf32, #tpu.memory_space<hbm>>
    %dma_start3A_8 = arith.constant 1024 : i32
    %dma_start3A_9 = tpu.memref_slice %arg2[%dma_start3A_8] : memref<1536xf32, #tpu.memory_space<hbm>> -> memref<256xf32, #tpu.memory_space<hbm>>
    tpu.enqueue_dma source(%dma_start3A_9 : memref<256xf32, #tpu.memory_space<hbm>>) target(%arg5 : memref<256xf32, #tpu.memory_space<vmem>>) target_semaphore(%arg8 : memref<!tpu.dma_semaphore, #tpu.memory_space<semaphore_mem>>)
    %dma_start3A_10 = arith.constant 1280 : i32
    %dma_start3A_11 = tpu.memref_slice %arg2[%dma_start3A_10] : memref<1536xf32, #tpu.memory_space<hbm>> -> memref<256xf32, #tpu.memory_space<hbm>>
    %dma_start3A_12 = arith.constant 1280 : i32
    %dma_start3A_13 = tpu.memref_slice %arg2[%dma_start3A_12] : memref<1536xf32, #tpu.memory_space<hbm>> -> memref<256xf32, #tpu.memory_space<hbm>>
    tpu.enqueue_dma source(%dma_start3A_13 : memref<256xf32, #tpu.memory_space<hbm>>) target(%arg6 : memref<256xf32, #tpu.memory_space<vmem>>) target_semaphore(%arg8 : memref<!tpu.dma_semaphore, #tpu.memory_space<semaphore_mem>>)
    %dma_wait3A = tpu.memref_slice %arg2[%mul3A_4] : memref<1536xf32, #tpu.memory_space<hbm>> -> memref<32xf32, #tpu.memory_space<hbm>>
    %dma_wait3A_14 = tpu.memref_slice %arg2[%mul3A_4] : memref<1536xf32, #tpu.memory_space<hbm>> -> memref<32xf32, #tpu.memory_space<hbm>>
    tpu.wait_dma2 semaphore(%arg8 : memref<!tpu.dma_semaphore, #tpu.memory_space<semaphore_mem>>) src(%dma_wait3A_14 : memref<32xf32, #tpu.memory_space<hbm>>) dst(%arg4 : memref<32xf32, #tpu.memory_space<vmem>>)
    %dma_wait3A_15 = arith.constant 1024 : i32
    %dma_wait3A_16 = tpu.memref_slice %arg2[%dma_wait3A_15] : memref<1536xf32, #tpu.memory_space<hbm>> -> memref<256xf32, #tpu.memory_space<hbm>>
    %dma_wait3A_17 = arith.constant 1024 : i32
    %dma_wait3A_18 = tpu.memref_slice %arg2[%dma_wait3A_17] : memref<1536xf32, #tpu.memory_space<hbm>> -> memref<256xf32, #tpu.memory_space<hbm>>
    tpu.wait_dma2 semaphore(%arg8 : memref<!tpu.dma_semaphore, #tpu.memory_space<semaphore_mem>>) src(%dma_wait3A_18 : memref<256xf32, #tpu.memory_space<hbm>>) dst(%arg5 : memref<256xf32, #tpu.memory_space<vmem>>)
    %dma_wait3A_19 = arith.constant 1280 : i32
    %dma_wait3A_20 = tpu.memref_slice %arg2[%dma_wait3A_19] : memref<1536xf32, #tpu.memory_space<hbm>> -> memref<256xf32, #tpu.memory_space<hbm>>
    %dma_wait3A_21 = arith.constant 1280 : i32
    %dma_wait3A_22 = tpu.memref_slice %arg2[%dma_wait3A_21] : memref<1536xf32, #tpu.memory_space<hbm>> -> memref<256xf32, #tpu.memory_space<hbm>>
    tpu.wait_dma2 semaphore(%arg8 : memref<!tpu.dma_semaphore, #tpu.memory_space<semaphore_mem>>) src(%dma_wait3A_22 : memref<256xf32, #tpu.memory_space<hbm>>) dst(%arg6 : memref<256xf32, #tpu.memory_space<vmem>>)
    %iota3A = tpu.iota {dimensions = array<i32: 0>} : vector<16xi32>
    %get3A = arith.constant 0 : index
    %get3A_23 = tpu.vector_load %arg4[%get3A] {strides = array<i32>} : memref<32xf32, #tpu.memory_space<vmem>>, vector<16xf32>,
    %get3A_24 = vector.shape_cast %get3A_23 : vector<16xf32> to vector<16xf32>
    %get3A_25 = arith.constant 16 : index
    %get3A_26 = tpu.vector_load %arg4[%get3A_25] {strides = array<i32>} : memref<32xf32, #tpu.memory_space<vmem>>, vector<16xf32>,
    %get3A_27 = vector.shape_cast %get3A_26 : vector<16xf32> to vector<16xf32>
    %lt3A = arith.constant 8 : i32
    %lt3A_28 = vector.broadcast %lt3A : i32 to vector<16xi32>
    %lt3A_29 = arith.cmpi slt, %iota3A, %lt3A_28 : vector<16xi32>
    %mul3A_30 = arith.constant 2 : i32
    %mul3A_31 = vector.broadcast %mul3A_30 : i32 to vector<16xi32>
    %mul3A_32 = arith.muli %mul3A_31, %iota3A : vector<16xi32>
    %jit3A = arith.constant 0 : i32
    %broadcast_in_dim3A = vector.broadcast %jit3A : i32 to vector<16xi32>
    %select_n3A = arith.select %lt3A_29, %mul3A_32, %broadcast_in_dim3A : vector<16xi1>, vector<16xi32>
    %mul3A_33 = arith.constant 2 : i32
    %mul3A_34 = vector.broadcast %mul3A_33 : i32 to vector<16xi32>
    %mul3A_35 = arith.muli %mul3A_34, %iota3A : vector<16xi32>
    %sub3A = arith.constant 16 : i32
    %sub3A_36 = vector.broadcast %sub3A : i32 to vector<16xi32>
    %sub3A_37 = arith.subi %mul3A_35, %sub3A_36 : vector<16xi32>
    %jit3A_38 = arith.constant 0 : i32
    %broadcast_in_dim3A_39 = vector.broadcast %jit3A_38 : i32 to vector<16xi32>
    %select_n3A_40 = arith.select %lt3A_29, %broadcast_in_dim3A_39, %sub3A_37 : vector<16xi1>, vector<16xi32>
    %lt3A_41 = arith.constant 0 : i32
    %lt3A_42 = vector.broadcast %lt3A_41 : i32 to vector<16xi32>
    %lt3A_43 = arith.cmpi slt, %select_n3A, %lt3A_42 : vector<16xi32>
    %add3A_44 = arith.constant 16 : i32
    %add3A_45 = vector.broadcast %add3A_44 : i32 to vector<16xi32>
    %add3A_46 = arith.addi %select_n3A, %add3A_45 : vector<16xi32>
    %select_n3A_47 = arith.select %lt3A_43, %add3A_46, %select_n3A : vector<16xi1>, vector<16xi32>
    %broadcast_in_dim3A_48 = vector.shape_cast %select_n3A_47 : vector<16xi32> to vector<16x1xi32>
    %gather3A = vector.shape_cast %broadcast_in_dim3A_48 : vector<16x1xi32> to vector<16xi32>
    %gather3A_49 = tpu.dynamic_gather %get3A_24[%gather3A] in [0] : vector<16xf32>, vector<16xi32> -> vector<16xf32>
    %lt3A_50 = arith.constant 0 : i32
    %lt3A_51 = vector.broadcast %lt3A_50 : i32 to vector<16xi32>
    %lt3A_52 = arith.cmpi slt, %select_n3A_40, %lt3A_51 : vector<16xi32>
    %add3A_53 = arith.constant 16 : i32
    %add3A_54 = vector.broadcast %add3A_53 : i32 to vector<16xi32>
    %add3A_55 = arith.addi %select_n3A_40, %add3A_54 : vector<16xi32>
    %select_n3A_56 = arith.select %lt3A_52, %add3A_55, %select_n3A_40 : vector<16xi1>, vector<16xi32>
    %broadcast_in_dim3A_57 = vector.shape_cast %select_n3A_56 : vector<16xi32> to vector<16x1xi32>
    %gather3A_58 = vector.shape_cast %broadcast_in_dim3A_57 : vector<16x1xi32> to vector<16xi32>
    %gather3A_59 = tpu.dynamic_gather %get3A_27[%gather3A_58] in [0] : vector<16xf32>, vector<16xi32> -> vector<16xf32>
    %select_n3A_60 = arith.select %lt3A_29, %gather3A_49, %gather3A_59 : vector<16xi1>, vector<16xf32>
    %add3A_61 = arith.constant 1 : i32
    %add3A_62 = vector.broadcast %add3A_61 : i32 to vector<16xi32>
    %add3A_63 = arith.addi %select_n3A, %add3A_62 : vector<16xi32>
    %lt3A_64 = arith.constant 0 : i32
    %lt3A_65 = vector.broadcast %lt3A_64 : i32 to vector<16xi32>
    %lt3A_66 = arith.cmpi slt, %add3A_63, %lt3A_65 : vector<16xi32>
    %add3A_67 = arith.constant 16 : i32
    %add3A_68 = vector.broadcast %add3A_67 : i32 to vector<16xi32>
    %add3A_69 = arith.addi %add3A_63, %add3A_68 : vector<16xi32>
    %select_n3A_70 = arith.select %lt3A_66, %add3A_69, %add3A_63 : vector<16xi1>, vector<16xi32>
    %broadcast_in_dim3A_71 = vector.shape_cast %select_n3A_70 : vector<16xi32> to vector<16x1xi32>
    %gather3A_72 = vector.shape_cast %broadcast_in_dim3A_71 : vector<16x1xi32> to vector<16xi32>
    %gather3A_73 = tpu.dynamic_gather %get3A_24[%gather3A_72] in [0] : vector<16xf32>, vector<16xi32> -> vector<16xf32>
    %add3A_74 = arith.constant 1 : i32
    %add3A_75 = vector.broadcast %add3A_74 : i32 to vector<16xi32>
    %add3A_76 = arith.addi %select_n3A_40, %add3A_75 : vector<16xi32>
    %lt3A_77 = arith.constant 0 : i32
    %lt3A_78 = vector.broadcast %lt3A_77 : i32 to vector<16xi32>
    %lt3A_79 = arith.cmpi slt, %add3A_76, %lt3A_78 : vector<16xi32>
    %add3A_80 = arith.constant 16 : i32
    %add3A_81 = vector.broadcast %add3A_80 : i32 to vector<16xi32>
    %add3A_82 = arith.addi %add3A_76, %add3A_81 : vector<16xi32>
    %select_n3A_83 = arith.select %lt3A_79, %add3A_82, %add3A_76 : vector<16xi1>, vector<16xi32>
    %broadcast_in_dim3A_84 = vector.shape_cast %select_n3A_83 : vector<16xi32> to vector<16x1xi32>
    %gather3A_85 = vector.shape_cast %broadcast_in_dim3A_84 : vector<16x1xi32> to vector<16xi32>
    %gather3A_86 = tpu.dynamic_gather %get3A_27[%gather3A_85] in [0] : vector<16xf32>, vector<16xi32> -> vector<16xf32>
    %select_n3A_87 = arith.select %lt3A_29, %gather3A_73, %gather3A_86 : vector<16xi1>, vector<16xf32>
    %broadcast_in_dim3A_88 = arith.constant 0x7F800000 : f32
    %broadcast_in_dim3A_89 = vector.broadcast %broadcast_in_dim3A_88 : f32 to vector<16xf32>
    %broadcast_in_dim3A_90 = arith.constant 0 : i32
    %broadcast_in_dim3A_91 = vector.broadcast %broadcast_in_dim3A_90 : i32 to vector<16xi32>
    %scan3A = arith.constant 0 : i32
    %scan3A_92 = arith.constant 16 : i32
    %scan3A_93 = arith.addi %scan3A, %scan3A_92 : i32
    %scan3A_94 = arith.constant 1 : i32
    %scan3A_95:2 = scf.for %scan3A_100 = %scan3A to %scan3A_93 step %scan3A_94 iter_args(%scan3A_101 = %broadcast_in_dim3A_89, %scan3A_102 = %broadcast_in_dim3A_91) -> (vector<16xf32>, vector<16xi32>)  : i32 {
      %mul3A_103 = arith.constant 16 : i32
      %mul3A_104 = arith.muli %scan3A_100, %mul3A_103 : i32
      %get3A_105 = arith.index_cast %mul3A_104 : i32 to index
      %get3A_106 = tpu.vector_load %arg5[%get3A_105] {strides = array<i32>} : memref<256xf32, #tpu.memory_space<vmem>>, vector<16xf32>,
      %get3A_107 = vector.shape_cast %get3A_106 : vector<16xf32> to vector<16xf32>
      %mul3A_108 = arith.constant 16 : i32
      %mul3A_109 = arith.muli %scan3A_100, %mul3A_108 : i32
      %get3A_110 = arith.index_cast %mul3A_109 : i32 to index
      %get3A_111 = tpu.vector_load %arg6[%get3A_110] {strides = array<i32>} : memref<256xf32, #tpu.memory_space<vmem>>, vector<16xf32>,
      %get3A_112 = vector.shape_cast %get3A_111 : vector<16xf32> to vector<16xf32>
      %broadcast_in_dim3A_113 = arith.constant 0 : i32
      %broadcast_in_dim3A_114 = vector.broadcast %broadcast_in_dim3A_113 : i32 to vector<16xi32>
      %lt3A_115 = arith.constant 0 : i32
      %lt3A_116 = vector.broadcast %lt3A_115 : i32 to vector<16xi32>
      %lt3A_117 = arith.cmpi slt, %broadcast_in_dim3A_114, %lt3A_116 : vector<16xi32>
      %add3A_118 = arith.constant 16 : i32
      %add3A_119 = vector.broadcast %add3A_118 : i32 to vector<16xi32>
      %add3A_120 = arith.addi %broadcast_in_dim3A_114, %add3A_119 : vector<16xi32>
      %select_n3A_121 = arith.select %lt3A_117, %add3A_120, %broadcast_in_dim3A_114 : vector<16xi1>, vector<16xi32>
      %broadcast_in_dim3A_122 = vector.shape_cast %select_n3A_121 : vector<16xi32> to vector<16x1xi32>
      %gather3A_123 = vector.shape_cast %broadcast_in_dim3A_122 : vector<16x1xi32> to vector<16xi32>
      %gather3A_124 = tpu.dynamic_gather %get3A_107[%gather3A_123] in [0] : vector<16xf32>, vector<16xi32> -> vector<16xf32>
      %sub3A_125 = arith.subf %select_n3A_60, %gather3A_124 : vector<16xf32>
      %broadcast_in_dim3A_126 = arith.constant 0 : i32
      %broadcast_in_dim3A_127 = vector.broadcast %broadcast_in_dim3A_126 : i32 to vector<16xi32>
      %lt3A_128 = arith.constant 0 : i32
      %lt3A_129 = vector.broadcast %lt3A_128 : i32 to vector<16xi32>
      %lt3A_130 = arith.cmpi slt, %broadcast_in_dim3A_127, %lt3A_129 : vector<16xi32>
      %add3A_131 = arith.constant 16 : i32
      %add3A_132 = vector.broadcast %add3A_131 : i32 to vector<16xi32>
      %add3A_133 = arith.addi %broadcast_in_dim3A_127, %add3A_132 : vector<16xi32>
      %select_n3A_134 = arith.select %lt3A_130, %add3A_133, %broadcast_in_dim3A_127 : vector<16xi1>, vector<16xi32>
      %broadcast_in_dim3A_135 = vector.shape_cast %select_n3A_134 : vector<16xi32> to vector<16x1xi32>
      %gather3A_136 = vector.shape_cast %broadcast_in_dim3A_135 : vector<16x1xi32> to vector<16xi32>
      %gather3A_137 = tpu.dynamic_gather %get3A_112[%gather3A_136] in [0] : vector<16xf32>, vector<16xi32> -> vector<16xf32>
      %sub3A_138 = arith.subf %select_n3A_87, %gather3A_137 : vector<16xf32>
      %mul3A_139 = arith.mulf %sub3A_125, %sub3A_125 : vector<16xf32>
      %mul3A_140 = arith.mulf %sub3A_138, %sub3A_138 : vector<16xf32>
      %add3A_141 = arith.addf %mul3A_139, %mul3A_140 : vector<16xf32>
      %lt3A_142 = arith.cmpf olt, %add3A_141, %scan3A_101 : vector<16xf32>
      %mul3A_143 = arith.constant 16 : i32
      %mul3A_144 = arith.muli %scan3A_100, %mul3A_143 : i32
      %add3A_145 = arith.constant 0 : i32
      %add3A_146 = arith.addi %mul3A_144, %add3A_145 : i32
      %broadcast_in_dim3A_147 = vector.broadcast %add3A_146 : i32 to vector<16xi32>
      %select_n3A_148 = arith.select %lt3A_142, %add3A_141, %scan3A_101 : vector<16xi1>, vector<16xf32>
      %select_n3A_149 = arith.select %lt3A_142, %broadcast_in_dim3A_147, %scan3A_102 : vector<16xi1>, vector<16xi32>
      %broadcast_in_dim3A_150 = arith.constant 1 : i32
      %broadcast_in_dim3A_151 = vector.broadcast %broadcast_in_dim3A_150 : i32 to vector<16xi32>
      %lt3A_152 = arith.constant 0 : i32
      %lt3A_153 = vector.broadcast %lt3A_152 : i32 to vector<16xi32>
      %lt3A_154 = arith.cmpi slt, %broadcast_in_dim3A_151, %lt3A_153 : vector<16xi32>
      %add3A_155 = arith.constant 16 : i32
      %add3A_156 = vector.broadcast %add3A_155 : i32 to vector<16xi32>
      %add3A_157 = arith.addi %broadcast_in_dim3A_151, %add3A_156 : vector<16xi32>
      %select_n3A_158 = arith.select %lt3A_154, %add3A_157, %broadcast_in_dim3A_151 : vector<16xi1>, vector<16xi32>
      %broadcast_in_dim3A_159 = vector.shape_cast %select_n3A_158 : vector<16xi32> to vector<16x1xi32>
      %gather3A_160 = vector.shape_cast %broadcast_in_dim3A_159 : vector<16x1xi32> to vector<16xi32>
      %gather3A_161 = tpu.dynamic_gather %get3A_107[%gather3A_160] in [0] : vector<16xf32>, vector<16xi32> -> vector<16xf32>
      %sub3A_162 = arith.subf %select_n3A_60, %gather3A_161 : vector<16xf32>
      %broadcast_in_dim3A_163 = arith.constant 1 : i32
      %broadcast_in_dim3A_164 = vector.broadcast %broadcast_in_dim3A_163 : i32 to vector<16xi32>
      %lt3A_165 = arith.constant 0 : i32
      %lt3A_166 = vector.broadcast %lt3A_165 : i32 to vector<16xi32>
      %lt3A_167 = arith.cmpi slt, %broadcast_in_dim3A_164, %lt3A_166 : vector<16xi32>
      %add3A_168 = arith.constant 16 : i32
      %add3A_169 = vector.broadcast %add3A_168 : i32 to vector<16xi32>
      %add3A_170 = arith.addi %broadcast_in_dim3A_164, %add3A_169 : vector<16xi32>
      %select_n3A_171 = arith.select %lt3A_167, %add3A_170, %broadcast_in_dim3A_164 : vector<16xi1>, vector<16xi32>
      %broadcast_in_dim3A_172 = vector.shape_cast %select_n3A_171 : vector<16xi32> to vector<16x1xi32>
      %gather3A_173 = vector.shape_cast %broadcast_in_dim3A_172 : vector<16x1xi32> to vector<16xi32>
      %gather3A_174 = tpu.dynamic_gather %get3A_112[%gather3A_173] in [0] : vector<16xf32>, vector<16xi32> -> vector<16xf32>
      %sub3A_175 = arith.subf %select_n3A_87, %gather3A_174 : vector<16xf32>
      %mul3A_176 = arith.mulf %sub3A_162, %sub3A_162 : vector<16xf32>
      %mul3A_177 = arith.mulf %sub3A_175, %sub3A_175 : vector<16xf32>
      %add3A_178 = arith.addf %mul3A_176, %mul3A_177 : vector<16xf32>
      %lt3A_179 = arith.cmpf olt, %add3A_178, %select_n3A_148 : vector<16xf32>
      %mul3A_180 = arith.constant 16 : i32
      %mul3A_181 = arith.muli %scan3A_100, %mul3A_180 : i32
      %add3A_182 = arith.constant 1 : i32
      %add3A_183 = arith.addi %mul3A_181, %add3A_182 : i32
      %broadcast_in_dim3A_184 = vector.broadcast %add3A_183 : i32 to vector<16xi32>
      %select_n3A_185 = arith.select %lt3A_179, %add3A_178, %select_n3A_148 : vector<16xi1>, vector<16xf32>
      %select_n3A_186 = arith.select %lt3A_179, %broadcast_in_dim3A_184, %select_n3A_149 : vector<16xi1>, vector<16xi32>
      %broadcast_in_dim3A_187 = arith.constant 2 : i32
      %broadcast_in_dim3A_188 = vector.broadcast %broadcast_in_dim3A_187 : i32 to vector<16xi32>
      %lt3A_189 = arith.constant 0 : i32
      %lt3A_190 = vector.broadcast %lt3A_189 : i32 to vector<16xi32>
      %lt3A_191 = arith.cmpi slt, %broadcast_in_dim3A_188, %lt3A_190 : vector<16xi32>
      %add3A_192 = arith.constant 16 : i32
      %add3A_193 = vector.broadcast %add3A_192 : i32 to vector<16xi32>
      %add3A_194 = arith.addi %broadcast_in_dim3A_188, %add3A_193 : vector<16xi32>
      %select_n3A_195 = arith.select %lt3A_191, %add3A_194, %broadcast_in_dim3A_188 : vector<16xi1>, vector<16xi32>
      %broadcast_in_dim3A_196 = vector.shape_cast %select_n3A_195 : vector<16xi32> to vector<16x1xi32>
      %gather3A_197 = vector.shape_cast %broadcast_in_dim3A_196 : vector<16x1xi32> to vector<16xi32>
      %gather3A_198 = tpu.dynamic_gather %get3A_107[%gather3A_197] in [0] : vector<16xf32>, vector<16xi32> -> vector<16xf32>
      %sub3A_199 = arith.subf %select_n3A_60, %gather3A_198 : vector<16xf32>
      %broadcast_in_dim3A_200 = arith.constant 2 : i32
      %broadcast_in_dim3A_201 = vector.broadcast %broadcast_in_dim3A_200 : i32 to vector<16xi32>
      %lt3A_202 = arith.constant 0 : i32
      %lt3A_203 = vector.broadcast %lt3A_202 : i32 to vector<16xi32>
      %lt3A_204 = arith.cmpi slt, %broadcast_in_dim3A_201, %lt3A_203 : vector<16xi32>
      %add3A_205 = arith.constant 16 : i32
      %add3A_206 = vector.broadcast %add3A_205 : i32 to vector<16xi32>
      %add3A_207 = arith.addi %broadcast_in_dim3A_201, %add3A_206 : vector<16xi32>
      %select_n3A_208 = arith.select %lt3A_204, %add3A_207, %broadcast_in_dim3A_201 : vector<16xi1>, vector<16xi32>
      %broadcast_in_dim3A_209 = vector.shape_cast %select_n3A_208 : vector<16xi32> to vector<16x1xi32>
      %gather3A_210 = vector.shape_cast %broadcast_in_dim3A_209 : vector<16x1xi32> to vector<16xi32>
      %gather3A_211 = tpu.dynamic_gather %get3A_112[%gather3A_210] in [0] : vector<16xf32>, vector<16xi32> -> vector<16xf32>
      %sub3A_212 = arith.subf %select_n3A_87, %gather3A_211 : vector<16xf32>
      %mul3A_213 = arith.mulf %sub3A_199, %sub3A_199 : vector<16xf32>
      %mul3A_214 = arith.mulf %sub3A_212, %sub3A_212 : vector<16xf32>
      %add3A_215 = arith.addf %mul3A_213, %mul3A_214 : vector<16xf32>
      %lt3A_216 = arith.cmpf olt, %add3A_215, %select_n3A_185 : vector<16xf32>
      %mul3A_217 = arith.constant 16 : i32
      %mul3A_218 = arith.muli %scan3A_100, %mul3A_217 : i32
      %add3A_219 = arith.constant 2 : i32
      %add3A_220 = arith.addi %mul3A_218, %add3A_219 : i32
      %broadcast_in_dim3A_221 = vector.broadcast %add3A_220 : i32 to vector<16xi32>
      %select_n3A_222 = arith.select %lt3A_216, %add3A_215, %select_n3A_185 : vector<16xi1>, vector<16xf32>
      %select_n3A_223 = arith.select %lt3A_216, %broadcast_in_dim3A_221, %select_n3A_186 : vector<16xi1>, vector<16xi32>
      %broadcast_in_dim3A_224 = arith.constant 3 : i32
      %broadcast_in_dim3A_225 = vector.broadcast %broadcast_in_dim3A_224 : i32 to vector<16xi32>
      %lt3A_226 = arith.constant 0 : i32
      %lt3A_227 = vector.broadcast %lt3A_226 : i32 to vector<16xi32>
      %lt3A_228 = arith.cmpi slt, %broadcast_in_dim3A_225, %lt3A_227 : vector<16xi32>
      %add3A_229 = arith.constant 16 : i32
      %add3A_230 = vector.broadcast %add3A_229 : i32 to vector<16xi32>
      %add3A_231 = arith.addi %broadcast_in_dim3A_225, %add3A_230 : vector<16xi32>
      %select_n3A_232 = arith.select %lt3A_228, %add3A_231, %broadcast_in_dim3A_225 : vector<16xi1>, vector<16xi32>
      %broadcast_in_dim3A_233 = vector.shape_cast %select_n3A_232 : vector<16xi32> to vector<16x1xi32>
      %gather3A_234 = vector.shape_cast %broadcast_in_dim3A_233 : vector<16x1xi32> to vector<16xi32>
      %gather3A_235 = tpu.dynamic_gather %get3A_107[%gather3A_234] in [0] : vector<16xf32>, vector<16xi32> -> vector<16xf32>
      %sub3A_236 = arith.subf %select_n3A_60, %gather3A_235 : vector<16xf32>
      %broadcast_in_dim3A_237 = arith.constant 3 : i32
      %broadcast_in_dim3A_238 = vector.broadcast %broadcast_in_dim3A_237 : i32 to vector<16xi32>
      %lt3A_239 = arith.constant 0 : i32
      %lt3A_240 = vector.broadcast %lt3A_239 : i32 to vector<16xi32>
      %lt3A_241 = arith.cmpi slt, %broadcast_in_dim3A_238, %lt3A_240 : vector<16xi32>
      %add3A_242 = arith.constant 16 : i32
      %add3A_243 = vector.broadcast %add3A_242 : i32 to vector<16xi32>
      %add3A_244 = arith.addi %broadcast_in_dim3A_238, %add3A_243 : vector<16xi32>
      %select_n3A_245 = arith.select %lt3A_241, %add3A_244, %broadcast_in_dim3A_238 : vector<16xi1>, vector<16xi32>
      %broadcast_in_dim3A_246 = vector.shape_cast %select_n3A_245 : vector<16xi32> to vector<16x1xi32>
      %gather3A_247 = vector.shape_cast %broadcast_in_dim3A_246 : vector<16x1xi32> to vector<16xi32>
      %gather3A_248 = tpu.dynamic_gather %get3A_112[%gather3A_247] in [0] : vector<16xf32>, vector<16xi32> -> vector<16xf32>
      %sub3A_249 = arith.subf %select_n3A_87, %gather3A_248 : vector<16xf32>
      %mul3A_250 = arith.mulf %sub3A_236, %sub3A_236 : vector<16xf32>
      %mul3A_251 = arith.mulf %sub3A_249, %sub3A_249 : vector<16xf32>
      %add3A_252 = arith.addf %mul3A_250, %mul3A_251 : vector<16xf32>
      %lt3A_253 = arith.cmpf olt, %add3A_252, %select_n3A_222 : vector<16xf32>
      %mul3A_254 = arith.constant 16 : i32
      %mul3A_255 = arith.muli %scan3A_100, %mul3A_254 : i32
      %add3A_256 = arith.constant 3 : i32
      %add3A_257 = arith.addi %mul3A_255, %add3A_256 : i32
      %broadcast_in_dim3A_258 = vector.broadcast %add3A_257 : i32 to vector<16xi32>
      %select_n3A_259 = arith.select %lt3A_253, %add3A_252, %select_n3A_222 : vector<16xi1>, vector<16xf32>
      %select_n3A_260 = arith.select %lt3A_253, %broadcast_in_dim3A_258, %select_n3A_223 : vector<16xi1>, vector<16xi32>
      %broadcast_in_dim3A_261 = arith.constant 4 : i32
      %broadcast_in_dim3A_262 = vector.broadcast %broadcast_in_dim3A_261 : i32 to vector<16xi32>
      %lt3A_263 = arith.constant 0 : i32
      %lt3A_264 = vector.broadcast %lt3A_263 : i32 to vector<16xi32>
      %lt3A_265 = arith.cmpi slt, %broadcast_in_dim3A_262, %lt3A_264 : vector<16xi32>
      %add3A_266 = arith.constant 16 : i32
      %add3A_267 = vector.broadcast %add3A_266 : i32 to vector<16xi32>
      %add3A_268 = arith.addi %broadcast_in_dim3A_262, %add3A_267 : vector<16xi32>
      %select_n3A_269 = arith.select %lt3A_265, %add3A_268, %broadcast_in_dim3A_262 : vector<16xi1>, vector<16xi32>
      %broadcast_in_dim3A_270 = vector.shape_cast %select_n3A_269 : vector<16xi32> to vector<16x1xi32>
      %gather3A_271 = vector.shape_cast %broadcast_in_dim3A_270 : vector<16x1xi32> to vector<16xi32>
      %gather3A_272 = tpu.dynamic_gather %get3A_107[%gather3A_271] in [0] : vector<16xf32>, vector<16xi32> -> vector<16xf32>
      %sub3A_273 = arith.subf %select_n3A_60, %gather3A_272 : vector<16xf32>
      %broadcast_in_dim3A_274 = arith.constant 4 : i32
      %broadcast_in_dim3A_275 = vector.broadcast %broadcast_in_dim3A_274 : i32 to vector<16xi32>
      %lt3A_276 = arith.constant 0 : i32
      %lt3A_277 = vector.broadcast %lt3A_276 : i32 to vector<16xi32>
      %lt3A_278 = arith.cmpi slt, %broadcast_in_dim3A_275, %lt3A_277 : vector<16xi32>
      %add3A_279 = arith.constant 16 : i32
      %add3A_280 = vector.broadcast %add3A_279 : i32 to vector<16xi32>
      %add3A_281 = arith.addi %broadcast_in_dim3A_275, %add3A_280 : vector<16xi32>
      %select_n3A_282 = arith.select %lt3A_278, %add3A_281, %broadcast_in_dim3A_275 : vector<16xi1>, vector<16xi32>
      %broadcast_in_dim3A_283 = vector.shape_cast %select_n3A_282 : vector<16xi32> to vector<16x1xi32>
      %gather3A_284 = vector.shape_cast %broadcast_in_dim3A_283 : vector<16x1xi32> to vector<16xi32>
      %gather3A_285 = tpu.dynamic_gather %get3A_112[%gather3A_284] in [0] : vector<16xf32>, vector<16xi32> -> vector<16xf32>
      %sub3A_286 = arith.subf %select_n3A_87, %gather3A_285 : vector<16xf32>
      %mul3A_287 = arith.mulf %sub3A_273, %sub3A_273 : vector<16xf32>
      %mul3A_288 = arith.mulf %sub3A_286, %sub3A_286 : vector<16xf32>
      %add3A_289 = arith.addf %mul3A_287, %mul3A_288 : vector<16xf32>
      %lt3A_290 = arith.cmpf olt, %add3A_289, %select_n3A_259 : vector<16xf32>
      %mul3A_291 = arith.constant 16 : i32
      %mul3A_292 = arith.muli %scan3A_100, %mul3A_291 : i32
      %add3A_293 = arith.constant 4 : i32
      %add3A_294 = arith.addi %mul3A_292, %add3A_293 : i32
      %broadcast_in_dim3A_295 = vector.broadcast %add3A_294 : i32 to vector<16xi32>
      %select_n3A_296 = arith.select %lt3A_290, %add3A_289, %select_n3A_259 : vector<16xi1>, vector<16xf32>
      %select_n3A_297 = arith.select %lt3A_290, %broadcast_in_dim3A_295, %select_n3A_260 : vector<16xi1>, vector<16xi32>
      %broadcast_in_dim3A_298 = arith.constant 5 : i32
      %broadcast_in_dim3A_299 = vector.broadcast %broadcast_in_dim3A_298 : i32 to vector<16xi32>
      %lt3A_300 = arith.constant 0 : i32
      %lt3A_301 = vector.broadcast %lt3A_300 : i32 to vector<16xi32>
      %lt3A_302 = arith.cmpi slt, %broadcast_in_dim3A_299, %lt3A_301 : vector<16xi32>
      %add3A_303 = arith.constant 16 : i32
      %add3A_304 = vector.broadcast %add3A_303 : i32 to vector<16xi32>
      %add3A_305 = arith.addi %broadcast_in_dim3A_299, %add3A_304 : vector<16xi32>
      %select_n3A_306 = arith.select %lt3A_302, %add3A_305, %broadcast_in_dim3A_299 : vector<16xi1>, vector<16xi32>
      %broadcast_in_dim3A_307 = vector.shape_cast %select_n3A_306 : vector<16xi32> to vector<16x1xi32>
      %gather3A_308 = vector.shape_cast %broadcast_in_dim3A_307 : vector<16x1xi32> to vector<16xi32>
      %gather3A_309 = tpu.dynamic_gather %get3A_107[%gather3A_308] in [0] : vector<16xf32>, vector<16xi32> -> vector<16xf32>
      %sub3A_310 = arith.subf %select_n3A_60, %gather3A_309 : vector<16xf32>
      %broadcast_in_dim3A_311 = arith.constant 5 : i32
      %broadcast_in_dim3A_312 = vector.broadcast %broadcast_in_dim3A_311 : i32 to vector<16xi32>
      %lt3A_313 = arith.constant 0 : i32
      %lt3A_314 = vector.broadcast %lt3A_313 : i32 to vector<16xi32>
      %lt3A_315 = arith.cmpi slt, %broadcast_in_dim3A_312, %lt3A_314 : vector<16xi32>
      %add3A_316 = arith.constant 16 : i32
      %add3A_317 = vector.broadcast %add3A_316 : i32 to vector<16xi32>
      %add3A_318 = arith.addi %broadcast_in_dim3A_312, %add3A_317 : vector<16xi32>
      %select_n3A_319 = arith.select %lt3A_315, %add3A_318, %broadcast_in_dim3A_312 : vector<16xi1>, vector<16xi32>
      %broadcast_in_dim3A_320 = vector.shape_cast %select_n3A_319 : vector<16xi32> to vector<16x1xi32>
      %gather3A_321 = vector.shape_cast %broadcast_in_dim3A_320 : vector<16x1xi32> to vector<16xi32>
      %gather3A_322 = tpu.dynamic_gather %get3A_112[%gather3A_321] in [0] : vector<16xf32>, vector<16xi32> -> vector<16xf32>
      %sub3A_323 = arith.subf %select_n3A_87, %gather3A_322 : vector<16xf32>
      %mul3A_324 = arith.mulf %sub3A_310, %sub3A_310 : vector<16xf32>
      %mul3A_325 = arith.mulf %sub3A_323, %sub3A_323 : vector<16xf32>
      %add3A_326 = arith.addf %mul3A_324, %mul3A_325 : vector<16xf32>
      %lt3A_327 = arith.cmpf olt, %add3A_326, %select_n3A_296 : vector<16xf32>
      %mul3A_328 = arith.constant 16 : i32
      %mul3A_329 = arith.muli %scan3A_100, %mul3A_328 : i32
      %add3A_330 = arith.constant 5 : i32
      %add3A_331 = arith.addi %mul3A_329, %add3A_330 : i32
      %broadcast_in_dim3A_332 = vector.broadcast %add3A_331 : i32 to vector<16xi32>
      %select_n3A_333 = arith.select %lt3A_327, %add3A_326, %select_n3A_296 : vector<16xi1>, vector<16xf32>
      %select_n3A_334 = arith.select %lt3A_327, %broadcast_in_dim3A_332, %select_n3A_297 : vector<16xi1>, vector<16xi32>
      %broadcast_in_dim3A_335 = arith.constant 6 : i32
      %broadcast_in_dim3A_336 = vector.broadcast %broadcast_in_dim3A_335 : i32 to vector<16xi32>
      %lt3A_337 = arith.constant 0 : i32
      %lt3A_338 = vector.broadcast %lt3A_337 : i32 to vector<16xi32>
      %lt3A_339 = arith.cmpi slt, %broadcast_in_dim3A_336, %lt3A_338 : vector<16xi32>
      %add3A_340 = arith.constant 16 : i32
      %add3A_341 = vector.broadcast %add3A_340 : i32 to vector<16xi32>
      %add3A_342 = arith.addi %broadcast_in_dim3A_336, %add3A_341 : vector<16xi32>
      %select_n3A_343 = arith.select %lt3A_339, %add3A_342, %broadcast_in_dim3A_336 : vector<16xi1>, vector<16xi32>
      %broadcast_in_dim3A_344 = vector.shape_cast %select_n3A_343 : vector<16xi32> to vector<16x1xi32>
      %gather3A_345 = vector.shape_cast %broadcast_in_dim3A_344 : vector<16x1xi32> to vector<16xi32>
      %gather3A_346 = tpu.dynamic_gather %get3A_107[%gather3A_345] in [0] : vector<16xf32>, vector<16xi32> -> vector<16xf32>
      %sub3A_347 = arith.subf %select_n3A_60, %gather3A_346 : vector<16xf32>
      %broadcast_in_dim3A_348 = arith.constant 6 : i32
      %broadcast_in_dim3A_349 = vector.broadcast %broadcast_in_dim3A_348 : i32 to vector<16xi32>
      %lt3A_350 = arith.constant 0 : i32
      %lt3A_351 = vector.broadcast %lt3A_350 : i32 to vector<16xi32>
      %lt3A_352 = arith.cmpi slt, %broadcast_in_dim3A_349, %lt3A_351 : vector<16xi32>
      %add3A_353 = arith.constant 16 : i32
      %add3A_354 = vector.broadcast %add3A_353 : i32 to vector<16xi32>
      %add3A_355 = arith.addi %broadcast_in_dim3A_349, %add3A_354 : vector<16xi32>
      %select_n3A_356 = arith.select %lt3A_352, %add3A_355, %broadcast_in_dim3A_349 : vector<16xi1>, vector<16xi32>
      %broadcast_in_dim3A_357 = vector.shape_cast %select_n3A_356 : vector<16xi32> to vector<16x1xi32>
      %gather3A_358 = vector.shape_cast %broadcast_in_dim3A_357 : vector<16x1xi32> to vector<16xi32>
      %gather3A_359 = tpu.dynamic_gather %get3A_112[%gather3A_358] in [0] : vector<16xf32>, vector<16xi32> -> vector<16xf32>
      %sub3A_360 = arith.subf %select_n3A_87, %gather3A_359 : vector<16xf32>
      %mul3A_361 = arith.mulf %sub3A_347, %sub3A_347 : vector<16xf32>
      %mul3A_362 = arith.mulf %sub3A_360, %sub3A_360 : vector<16xf32>
      %add3A_363 = arith.addf %mul3A_361, %mul3A_362 : vector<16xf32>
      %lt3A_364 = arith.cmpf olt, %add3A_363, %select_n3A_333 : vector<16xf32>
      %mul3A_365 = arith.constant 16 : i32
      %mul3A_366 = arith.muli %scan3A_100, %mul3A_365 : i32
      %add3A_367 = arith.constant 6 : i32
      %add3A_368 = arith.addi %mul3A_366, %add3A_367 : i32
      %broadcast_in_dim3A_369 = vector.broadcast %add3A_368 : i32 to vector<16xi32>
      %select_n3A_370 = arith.select %lt3A_364, %add3A_363, %select_n3A_333 : vector<16xi1>, vector<16xf32>
      %select_n3A_371 = arith.select %lt3A_364, %broadcast_in_dim3A_369, %select_n3A_334 : vector<16xi1>, vector<16xi32>
      %broadcast_in_dim3A_372 = arith.constant 7 : i32
      %broadcast_in_dim3A_373 = vector.broadcast %broadcast_in_dim3A_372 : i32 to vector<16xi32>
      %lt3A_374 = arith.constant 0 : i32
      %lt3A_375 = vector.broadcast %lt3A_374 : i32 to vector<16xi32>
      %lt3A_376 = arith.cmpi slt, %broadcast_in_dim3A_373, %lt3A_375 : vector<16xi32>
      %add3A_377 = arith.constant 16 : i32
      %add3A_378 = vector.broadcast %add3A_377 : i32 to vector<16xi32>
      %add3A_379 = arith.addi %broadcast_in_dim3A_373, %add3A_378 : vector<16xi32>
      %select_n3A_380 = arith.select %lt3A_376, %add3A_379, %broadcast_in_dim3A_373 : vector<16xi1>, vector<16xi32>
      %broadcast_in_dim3A_381 = vector.shape_cast %select_n3A_380 : vector<16xi32> to vector<16x1xi32>
      %gather3A_382 = vector.shape_cast %broadcast_in_dim3A_381 : vector<16x1xi32> to vector<16xi32>
      %gather3A_383 = tpu.dynamic_gather %get3A_107[%gather3A_382] in [0] : vector<16xf32>, vector<16xi32> -> vector<16xf32>
      %sub3A_384 = arith.subf %select_n3A_60, %gather3A_383 : vector<16xf32>
      %broadcast_in_dim3A_385 = arith.constant 7 : i32
      %broadcast_in_dim3A_386 = vector.broadcast %broadcast_in_dim3A_385 : i32 to vector<16xi32>
      %lt3A_387 = arith.constant 0 : i32
      %lt3A_388 = vector.broadcast %lt3A_387 : i32 to vector<16xi32>
      %lt3A_389 = arith.cmpi slt, %broadcast_in_dim3A_386, %lt3A_388 : vector<16xi32>
      %add3A_390 = arith.constant 16 : i32
      %add3A_391 = vector.broadcast %add3A_390 : i32 to vector<16xi32>
      %add3A_392 = arith.addi %broadcast_in_dim3A_386, %add3A_391 : vector<16xi32>
      %select_n3A_393 = arith.select %lt3A_389, %add3A_392, %broadcast_in_dim3A_386 : vector<16xi1>, vector<16xi32>
      %broadcast_in_dim3A_394 = vector.shape_cast %select_n3A_393 : vector<16xi32> to vector<16x1xi32>
      %gather3A_395 = vector.shape_cast %broadcast_in_dim3A_394 : vector<16x1xi32> to vector<16xi32>
      %gather3A_396 = tpu.dynamic_gather %get3A_112[%gather3A_395] in [0] : vector<16xf32>, vector<16xi32> -> vector<16xf32>
      %sub3A_397 = arith.subf %select_n3A_87, %gather3A_396 : vector<16xf32>
      %mul3A_398 = arith.mulf %sub3A_384, %sub3A_384 : vector<16xf32>
      %mul3A_399 = arith.mulf %sub3A_397, %sub3A_397 : vector<16xf32>
      %add3A_400 = arith.addf %mul3A_398, %mul3A_399 : vector<16xf32>
      %lt3A_401 = arith.cmpf olt, %add3A_400, %select_n3A_370 : vector<16xf32>
      %mul3A_402 = arith.constant 16 : i32
      %mul3A_403 = arith.muli %scan3A_100, %mul3A_402 : i32
      %add3A_404 = arith.constant 7 : i32
      %add3A_405 = arith.addi %mul3A_403, %add3A_404 : i32
      %broadcast_in_dim3A_406 = vector.broadcast %add3A_405 : i32 to vector<16xi32>
      %select_n3A_407 = arith.select %lt3A_401, %add3A_400, %select_n3A_370 : vector<16xi1>, vector<16xf32>
      %select_n3A_408 = arith.select %lt3A_401, %broadcast_in_dim3A_406, %select_n3A_371 : vector<16xi1>, vector<16xi32>
      %broadcast_in_dim3A_409 = arith.constant 8 : i32
      %broadcast_in_dim3A_410 = vector.broadcast %broadcast_in_dim3A_409 : i32 to vector<16xi32>
      %lt3A_411 = arith.constant 0 : i32
      %lt3A_412 = vector.broadcast %lt3A_411 : i32 to vector<16xi32>
      %lt3A_413 = arith.cmpi slt, %broadcast_in_dim3A_410, %lt3A_412 : vector<16xi32>
      %add3A_414 = arith.constant 16 : i32
      %add3A_415 = vector.broadcast %add3A_414 : i32 to vector<16xi32>
      %add3A_416 = arith.addi %broadcast_in_dim3A_410, %add3A_415 : vector<16xi32>
      %select_n3A_417 = arith.select %lt3A_413, %add3A_416, %broadcast_in_dim3A_410 : vector<16xi1>, vector<16xi32>
      %broadcast_in_dim3A_418 = vector.shape_cast %select_n3A_417 : vector<16xi32> to vector<16x1xi32>
      %gather3A_419 = vector.shape_cast %broadcast_in_dim3A_418 : vector<16x1xi32> to vector<16xi32>
      %gather3A_420 = tpu.dynamic_gather %get3A_107[%gather3A_419] in [0] : vector<16xf32>, vector<16xi32> -> vector<16xf32>
      %sub3A_421 = arith.subf %select_n3A_60, %gather3A_420 : vector<16xf32>
      %broadcast_in_dim3A_422 = arith.constant 8 : i32
      %broadcast_in_dim3A_423 = vector.broadcast %broadcast_in_dim3A_422 : i32 to vector<16xi32>
      %lt3A_424 = arith.constant 0 : i32
      %lt3A_425 = vector.broadcast %lt3A_424 : i32 to vector<16xi32>
      %lt3A_426 = arith.cmpi slt, %broadcast_in_dim3A_423, %lt3A_425 : vector<16xi32>
      %add3A_427 = arith.constant 16 : i32
      %add3A_428 = vector.broadcast %add3A_427 : i32 to vector<16xi32>
      %add3A_429 = arith.addi %broadcast_in_dim3A_423, %add3A_428 : vector<16xi32>
      %select_n3A_430 = arith.select %lt3A_426, %add3A_429, %broadcast_in_dim3A_423 : vector<16xi1>, vector<16xi32>
      %broadcast_in_dim3A_431 = vector.shape_cast %select_n3A_430 : vector<16xi32> to vector<16x1xi32>
      %gather3A_432 = vector.shape_cast %broadcast_in_dim3A_431 : vector<16x1xi32> to vector<16xi32>
      %gather3A_433 = tpu.dynamic_gather %get3A_112[%gather3A_432] in [0] : vector<16xf32>, vector<16xi32> -> vector<16xf32>
      %sub3A_434 = arith.subf %select_n3A_87, %gather3A_433 : vector<16xf32>
      %mul3A_435 = arith.mulf %sub3A_421, %sub3A_421 : vector<16xf32>
      %mul3A_436 = arith.mulf %sub3A_434, %sub3A_434 : vector<16xf32>
      %add3A_437 = arith.addf %mul3A_435, %mul3A_436 : vector<16xf32>
      %lt3A_438 = arith.cmpf olt, %add3A_437, %select_n3A_407 : vector<16xf32>
      %mul3A_439 = arith.constant 16 : i32
      %mul3A_440 = arith.muli %scan3A_100, %mul3A_439 : i32
      %add3A_441 = arith.constant 8 : i32
      %add3A_442 = arith.addi %mul3A_440, %add3A_441 : i32
      %broadcast_in_dim3A_443 = vector.broadcast %add3A_442 : i32 to vector<16xi32>
      %select_n3A_444 = arith.select %lt3A_438, %add3A_437, %select_n3A_407 : vector<16xi1>, vector<16xf32>
      %select_n3A_445 = arith.select %lt3A_438, %broadcast_in_dim3A_443, %select_n3A_408 : vector<16xi1>, vector<16xi32>
      %broadcast_in_dim3A_446 = arith.constant 9 : i32
      %broadcast_in_dim3A_447 = vector.broadcast %broadcast_in_dim3A_446 : i32 to vector<16xi32>
      %lt3A_448 = arith.constant 0 : i32
      %lt3A_449 = vector.broadcast %lt3A_448 : i32 to vector<16xi32>
      %lt3A_450 = arith.cmpi slt, %broadcast_in_dim3A_447, %lt3A_449 : vector<16xi32>
      %add3A_451 = arith.constant 16 : i32
      %add3A_452 = vector.broadcast %add3A_451 : i32 to vector<16xi32>
      %add3A_453 = arith.addi %broadcast_in_dim3A_447, %add3A_452 : vector<16xi32>
      %select_n3A_454 = arith.select %lt3A_450, %add3A_453, %broadcast_in_dim3A_447 : vector<16xi1>, vector<16xi32>
      %broadcast_in_dim3A_455 = vector.shape_cast %select_n3A_454 : vector<16xi32> to vector<16x1xi32>
      %gather3A_456 = vector.shape_cast %broadcast_in_dim3A_455 : vector<16x1xi32> to vector<16xi32>
      %gather3A_457 = tpu.dynamic_gather %get3A_107[%gather3A_456] in [0] : vector<16xf32>, vector<16xi32> -> vector<16xf32>
      %sub3A_458 = arith.subf %select_n3A_60, %gather3A_457 : vector<16xf32>
      %broadcast_in_dim3A_459 = arith.constant 9 : i32
      %broadcast_in_dim3A_460 = vector.broadcast %broadcast_in_dim3A_459 : i32 to vector<16xi32>
      %lt3A_461 = arith.constant 0 : i32
      %lt3A_462 = vector.broadcast %lt3A_461 : i32 to vector<16xi32>
      %lt3A_463 = arith.cmpi slt, %broadcast_in_dim3A_460, %lt3A_462 : vector<16xi32>
      %add3A_464 = arith.constant 16 : i32
      %add3A_465 = vector.broadcast %add3A_464 : i32 to vector<16xi32>
      %add3A_466 = arith.addi %broadcast_in_dim3A_460, %add3A_465 : vector<16xi32>
      %select_n3A_467 = arith.select %lt3A_463, %add3A_466, %broadcast_in_dim3A_460 : vector<16xi1>, vector<16xi32>
      %broadcast_in_dim3A_468 = vector.shape_cast %select_n3A_467 : vector<16xi32> to vector<16x1xi32>
      %gather3A_469 = vector.shape_cast %broadcast_in_dim3A_468 : vector<16x1xi32> to vector<16xi32>
      %gather3A_470 = tpu.dynamic_gather %get3A_112[%gather3A_469] in [0] : vector<16xf32>, vector<16xi32> -> vector<16xf32>
      %sub3A_471 = arith.subf %select_n3A_87, %gather3A_470 : vector<16xf32>
      %mul3A_472 = arith.mulf %sub3A_458, %sub3A_458 : vector<16xf32>
      %mul3A_473 = arith.mulf %sub3A_471, %sub3A_471 : vector<16xf32>
      %add3A_474 = arith.addf %mul3A_472, %mul3A_473 : vector<16xf32>
      %lt3A_475 = arith.cmpf olt, %add3A_474, %select_n3A_444 : vector<16xf32>
      %mul3A_476 = arith.constant 16 : i32
      %mul3A_477 = arith.muli %scan3A_100, %mul3A_476 : i32
      %add3A_478 = arith.constant 9 : i32
      %add3A_479 = arith.addi %mul3A_477, %add3A_478 : i32
      %broadcast_in_dim3A_480 = vector.broadcast %add3A_479 : i32 to vector<16xi32>
      %select_n3A_481 = arith.select %lt3A_475, %add3A_474, %select_n3A_444 : vector<16xi1>, vector<16xf32>
      %select_n3A_482 = arith.select %lt3A_475, %broadcast_in_dim3A_480, %select_n3A_445 : vector<16xi1>, vector<16xi32>
      %broadcast_in_dim3A_483 = arith.constant 10 : i32
      %broadcast_in_dim3A_484 = vector.broadcast %broadcast_in_dim3A_483 : i32 to vector<16xi32>
      %lt3A_485 = arith.constant 0 : i32
      %lt3A_486 = vector.broadcast %lt3A_485 : i32 to vector<16xi32>
      %lt3A_487 = arith.cmpi slt, %broadcast_in_dim3A_484, %lt3A_486 : vector<16xi32>
      %add3A_488 = arith.constant 16 : i32
      %add3A_489 = vector.broadcast %add3A_488 : i32 to vector<16xi32>
      %add3A_490 = arith.addi %broadcast_in_dim3A_484, %add3A_489 : vector<16xi32>
      %select_n3A_491 = arith.select %lt3A_487, %add3A_490, %broadcast_in_dim3A_484 : vector<16xi1>, vector<16xi32>
      %broadcast_in_dim3A_492 = vector.shape_cast %select_n3A_491 : vector<16xi32> to vector<16x1xi32>
      %gather3A_493 = vector.shape_cast %broadcast_in_dim3A_492 : vector<16x1xi32> to vector<16xi32>
      %gather3A_494 = tpu.dynamic_gather %get3A_107[%gather3A_493] in [0] : vector<16xf32>, vector<16xi32> -> vector<16xf32>
      %sub3A_495 = arith.subf %select_n3A_60, %gather3A_494 : vector<16xf32>
      %broadcast_in_dim3A_496 = arith.constant 10 : i32
      %broadcast_in_dim3A_497 = vector.broadcast %broadcast_in_dim3A_496 : i32 to vector<16xi32>
      %lt3A_498 = arith.constant 0 : i32
      %lt3A_499 = vector.broadcast %lt3A_498 : i32 to vector<16xi32>
      %lt3A_500 = arith.cmpi slt, %broadcast_in_dim3A_497, %lt3A_499 : vector<16xi32>
      %add3A_501 = arith.constant 16 : i32
      %add3A_502 = vector.broadcast %add3A_501 : i32 to vector<16xi32>
      %add3A_503 = arith.addi %broadcast_in_dim3A_497, %add3A_502 : vector<16xi32>
      %select_n3A_504 = arith.select %lt3A_500, %add3A_503, %broadcast_in_dim3A_497 : vector<16xi1>, vector<16xi32>
      %broadcast_in_dim3A_505 = vector.shape_cast %select_n3A_504 : vector<16xi32> to vector<16x1xi32>
      %gather3A_506 = vector.shape_cast %broadcast_in_dim3A_505 : vector<16x1xi32> to vector<16xi32>
      %gather3A_507 = tpu.dynamic_gather %get3A_112[%gather3A_506] in [0] : vector<16xf32>, vector<16xi32> -> vector<16xf32>
      %sub3A_508 = arith.subf %select_n3A_87, %gather3A_507 : vector<16xf32>
      %mul3A_509 = arith.mulf %sub3A_495, %sub3A_495 : vector<16xf32>
      %mul3A_510 = arith.mulf %sub3A_508, %sub3A_508 : vector<16xf32>
      %add3A_511 = arith.addf %mul3A_509, %mul3A_510 : vector<16xf32>
      %lt3A_512 = arith.cmpf olt, %add3A_511, %select_n3A_481 : vector<16xf32>
      %mul3A_513 = arith.constant 16 : i32
      %mul3A_514 = arith.muli %scan3A_100, %mul3A_513 : i32
      %add3A_515 = arith.constant 10 : i32
      %add3A_516 = arith.addi %mul3A_514, %add3A_515 : i32
      %broadcast_in_dim3A_517 = vector.broadcast %add3A_516 : i32 to vector<16xi32>
      %select_n3A_518 = arith.select %lt3A_512, %add3A_511, %select_n3A_481 : vector<16xi1>, vector<16xf32>
      %select_n3A_519 = arith.select %lt3A_512, %broadcast_in_dim3A_517, %select_n3A_482 : vector<16xi1>, vector<16xi32>
      %broadcast_in_dim3A_520 = arith.constant 11 : i32
      %broadcast_in_dim3A_521 = vector.broadcast %broadcast_in_dim3A_520 : i32 to vector<16xi32>
      %lt3A_522 = arith.constant 0 : i32
      %lt3A_523 = vector.broadcast %lt3A_522 : i32 to vector<16xi32>
      %lt3A_524 = arith.cmpi slt, %broadcast_in_dim3A_521, %lt3A_523 : vector<16xi32>
      %add3A_525 = arith.constant 16 : i32
      %add3A_526 = vector.broadcast %add3A_525 : i32 to vector<16xi32>
      %add3A_527 = arith.addi %broadcast_in_dim3A_521, %add3A_526 : vector<16xi32>
      %select_n3A_528 = arith.select %lt3A_524, %add3A_527, %broadcast_in_dim3A_521 : vector<16xi1>, vector<16xi32>
      %broadcast_in_dim3A_529 = vector.shape_cast %select_n3A_528 : vector<16xi32> to vector<16x1xi32>
      %gather3A_530 = vector.shape_cast %broadcast_in_dim3A_529 : vector<16x1xi32> to vector<16xi32>
      %gather3A_531 = tpu.dynamic_gather %get3A_107[%gather3A_530] in [0] : vector<16xf32>, vector<16xi32> -> vector<16xf32>
      %sub3A_532 = arith.subf %select_n3A_60, %gather3A_531 : vector<16xf32>
      %broadcast_in_dim3A_533 = arith.constant 11 : i32
      %broadcast_in_dim3A_534 = vector.broadcast %broadcast_in_dim3A_533 : i32 to vector<16xi32>
      %lt3A_535 = arith.constant 0 : i32
      %lt3A_536 = vector.broadcast %lt3A_535 : i32 to vector<16xi32>
      %lt3A_537 = arith.cmpi slt, %broadcast_in_dim3A_534, %lt3A_536 : vector<16xi32>
      %add3A_538 = arith.constant 16 : i32
      %add3A_539 = vector.broadcast %add3A_538 : i32 to vector<16xi32>
      %add3A_540 = arith.addi %broadcast_in_dim3A_534, %add3A_539 : vector<16xi32>
      %select_n3A_541 = arith.select %lt3A_537, %add3A_540, %broadcast_in_dim3A_534 : vector<16xi1>, vector<16xi32>
      %broadcast_in_dim3A_542 = vector.shape_cast %select_n3A_541 : vector<16xi32> to vector<16x1xi32>
      %gather3A_543 = vector.shape_cast %broadcast_in_dim3A_542 : vector<16x1xi32> to vector<16xi32>
      %gather3A_544 = tpu.dynamic_gather %get3A_112[%gather3A_543] in [0] : vector<16xf32>, vector<16xi32> -> vector<16xf32>
      %sub3A_545 = arith.subf %select_n3A_87, %gather3A_544 : vector<16xf32>
      %mul3A_546 = arith.mulf %sub3A_532, %sub3A_532 : vector<16xf32>
      %mul3A_547 = arith.mulf %sub3A_545, %sub3A_545 : vector<16xf32>
      %add3A_548 = arith.addf %mul3A_546, %mul3A_547 : vector<16xf32>
      %lt3A_549 = arith.cmpf olt, %add3A_548, %select_n3A_518 : vector<16xf32>
      %mul3A_550 = arith.constant 16 : i32
      %mul3A_551 = arith.muli %scan3A_100, %mul3A_550 : i32
      %add3A_552 = arith.constant 11 : i32
      %add3A_553 = arith.addi %mul3A_551, %add3A_552 : i32
      %broadcast_in_dim3A_554 = vector.broadcast %add3A_553 : i32 to vector<16xi32>
      %select_n3A_555 = arith.select %lt3A_549, %add3A_548, %select_n3A_518 : vector<16xi1>, vector<16xf32>
      %select_n3A_556 = arith.select %lt3A_549, %broadcast_in_dim3A_554, %select_n3A_519 : vector<16xi1>, vector<16xi32>
      %broadcast_in_dim3A_557 = arith.constant 12 : i32
      %broadcast_in_dim3A_558 = vector.broadcast %broadcast_in_dim3A_557 : i32 to vector<16xi32>
      %lt3A_559 = arith.constant 0 : i32
      %lt3A_560 = vector.broadcast %lt3A_559 : i32 to vector<16xi32>
      %lt3A_561 = arith.cmpi slt, %broadcast_in_dim3A_558, %lt3A_560 : vector<16xi32>
      %add3A_562 = arith.constant 16 : i32
      %add3A_563 = vector.broadcast %add3A_562 : i32 to vector<16xi32>
      %add3A_564 = arith.addi %broadcast_in_dim3A_558, %add3A_563 : vector<16xi32>
      %select_n3A_565 = arith.select %lt3A_561, %add3A_564, %broadcast_in_dim3A_558 : vector<16xi1>, vector<16xi32>
      %broadcast_in_dim3A_566 = vector.shape_cast %select_n3A_565 : vector<16xi32> to vector<16x1xi32>
      %gather3A_567 = vector.shape_cast %broadcast_in_dim3A_566 : vector<16x1xi32> to vector<16xi32>
      %gather3A_568 = tpu.dynamic_gather %get3A_107[%gather3A_567] in [0] : vector<16xf32>, vector<16xi32> -> vector<16xf32>
      %sub3A_569 = arith.subf %select_n3A_60, %gather3A_568 : vector<16xf32>
      %broadcast_in_dim3A_570 = arith.constant 12 : i32
      %broadcast_in_dim3A_571 = vector.broadcast %broadcast_in_dim3A_570 : i32 to vector<16xi32>
      %lt3A_572 = arith.constant 0 : i32
      %lt3A_573 = vector.broadcast %lt3A_572 : i32 to vector<16xi32>
      %lt3A_574 = arith.cmpi slt, %broadcast_in_dim3A_571, %lt3A_573 : vector<16xi32>
      %add3A_575 = arith.constant 16 : i32
      %add3A_576 = vector.broadcast %add3A_575 : i32 to vector<16xi32>
      %add3A_577 = arith.addi %broadcast_in_dim3A_571, %add3A_576 : vector<16xi32>
      %select_n3A_578 = arith.select %lt3A_574, %add3A_577, %broadcast_in_dim3A_571 : vector<16xi1>, vector<16xi32>
      %broadcast_in_dim3A_579 = vector.shape_cast %select_n3A_578 : vector<16xi32> to vector<16x1xi32>
      %gather3A_580 = vector.shape_cast %broadcast_in_dim3A_579 : vector<16x1xi32> to vector<16xi32>
      %gather3A_581 = tpu.dynamic_gather %get3A_112[%gather3A_580] in [0] : vector<16xf32>, vector<16xi32> -> vector<16xf32>
      %sub3A_582 = arith.subf %select_n3A_87, %gather3A_581 : vector<16xf32>
      %mul3A_583 = arith.mulf %sub3A_569, %sub3A_569 : vector<16xf32>
      %mul3A_584 = arith.mulf %sub3A_582, %sub3A_582 : vector<16xf32>
      %add3A_585 = arith.addf %mul3A_583, %mul3A_584 : vector<16xf32>
      %lt3A_586 = arith.cmpf olt, %add3A_585, %select_n3A_555 : vector<16xf32>
      %mul3A_587 = arith.constant 16 : i32
      %mul3A_588 = arith.muli %scan3A_100, %mul3A_587 : i32
      %add3A_589 = arith.constant 12 : i32
      %add3A_590 = arith.addi %mul3A_588, %add3A_589 : i32
      %broadcast_in_dim3A_591 = vector.broadcast %add3A_590 : i32 to vector<16xi32>
      %select_n3A_592 = arith.select %lt3A_586, %add3A_585, %select_n3A_555 : vector<16xi1>, vector<16xf32>
      %select_n3A_593 = arith.select %lt3A_586, %broadcast_in_dim3A_591, %select_n3A_556 : vector<16xi1>, vector<16xi32>
      %broadcast_in_dim3A_594 = arith.constant 13 : i32
      %broadcast_in_dim3A_595 = vector.broadcast %broadcast_in_dim3A_594 : i32 to vector<16xi32>
      %lt3A_596 = arith.constant 0 : i32
      %lt3A_597 = vector.broadcast %lt3A_596 : i32 to vector<16xi32>
      %lt3A_598 = arith.cmpi slt, %broadcast_in_dim3A_595, %lt3A_597 : vector<16xi32>
      %add3A_599 = arith.constant 16 : i32
      %add3A_600 = vector.broadcast %add3A_599 : i32 to vector<16xi32>
      %add3A_601 = arith.addi %broadcast_in_dim3A_595, %add3A_600 : vector<16xi32>
      %select_n3A_602 = arith.select %lt3A_598, %add3A_601, %broadcast_in_dim3A_595 : vector<16xi1>, vector<16xi32>
      %broadcast_in_dim3A_603 = vector.shape_cast %select_n3A_602 : vector<16xi32> to vector<16x1xi32>
      %gather3A_604 = vector.shape_cast %broadcast_in_dim3A_603 : vector<16x1xi32> to vector<16xi32>
      %gather3A_605 = tpu.dynamic_gather %get3A_107[%gather3A_604] in [0] : vector<16xf32>, vector<16xi32> -> vector<16xf32>
      %sub3A_606 = arith.subf %select_n3A_60, %gather3A_605 : vector<16xf32>
      %broadcast_in_dim3A_607 = arith.constant 13 : i32
      %broadcast_in_dim3A_608 = vector.broadcast %broadcast_in_dim3A_607 : i32 to vector<16xi32>
      %lt3A_609 = arith.constant 0 : i32
      %lt3A_610 = vector.broadcast %lt3A_609 : i32 to vector<16xi32>
      %lt3A_611 = arith.cmpi slt, %broadcast_in_dim3A_608, %lt3A_610 : vector<16xi32>
      %add3A_612 = arith.constant 16 : i32
      %add3A_613 = vector.broadcast %add3A_612 : i32 to vector<16xi32>
      %add3A_614 = arith.addi %broadcast_in_dim3A_608, %add3A_613 : vector<16xi32>
      %select_n3A_615 = arith.select %lt3A_611, %add3A_614, %broadcast_in_dim3A_608 : vector<16xi1>, vector<16xi32>
      %broadcast_in_dim3A_616 = vector.shape_cast %select_n3A_615 : vector<16xi32> to vector<16x1xi32>
      %gather3A_617 = vector.shape_cast %broadcast_in_dim3A_616 : vector<16x1xi32> to vector<16xi32>
      %gather3A_618 = tpu.dynamic_gather %get3A_112[%gather3A_617] in [0] : vector<16xf32>, vector<16xi32> -> vector<16xf32>
      %sub3A_619 = arith.subf %select_n3A_87, %gather3A_618 : vector<16xf32>
      %mul3A_620 = arith.mulf %sub3A_606, %sub3A_606 : vector<16xf32>
      %mul3A_621 = arith.mulf %sub3A_619, %sub3A_619 : vector<16xf32>
      %add3A_622 = arith.addf %mul3A_620, %mul3A_621 : vector<16xf32>
      %lt3A_623 = arith.cmpf olt, %add3A_622, %select_n3A_592 : vector<16xf32>
      %mul3A_624 = arith.constant 16 : i32
      %mul3A_625 = arith.muli %scan3A_100, %mul3A_624 : i32
      %add3A_626 = arith.constant 13 : i32
      %add3A_627 = arith.addi %mul3A_625, %add3A_626 : i32
      %broadcast_in_dim3A_628 = vector.broadcast %add3A_627 : i32 to vector<16xi32>
      %select_n3A_629 = arith.select %lt3A_623, %add3A_622, %select_n3A_592 : vector<16xi1>, vector<16xf32>
      %select_n3A_630 = arith.select %lt3A_623, %broadcast_in_dim3A_628, %select_n3A_593 : vector<16xi1>, vector<16xi32>
      %broadcast_in_dim3A_631 = arith.constant 14 : i32
      %broadcast_in_dim3A_632 = vector.broadcast %broadcast_in_dim3A_631 : i32 to vector<16xi32>
      %lt3A_633 = arith.constant 0 : i32
      %lt3A_634 = vector.broadcast %lt3A_633 : i32 to vector<16xi32>
      %lt3A_635 = arith.cmpi slt, %broadcast_in_dim3A_632, %lt3A_634 : vector<16xi32>
      %add3A_636 = arith.constant 16 : i32
      %add3A_637 = vector.broadcast %add3A_636 : i32 to vector<16xi32>
      %add3A_638 = arith.addi %broadcast_in_dim3A_632, %add3A_637 : vector<16xi32>
      %select_n3A_639 = arith.select %lt3A_635, %add3A_638, %broadcast_in_dim3A_632 : vector<16xi1>, vector<16xi32>
      %broadcast_in_dim3A_640 = vector.shape_cast %select_n3A_639 : vector<16xi32> to vector<16x1xi32>
      %gather3A_641 = vector.shape_cast %broadcast_in_dim3A_640 : vector<16x1xi32> to vector<16xi32>
      %gather3A_642 = tpu.dynamic_gather %get3A_107[%gather3A_641] in [0] : vector<16xf32>, vector<16xi32> -> vector<16xf32>
      %sub3A_643 = arith.subf %select_n3A_60, %gather3A_642 : vector<16xf32>
      %broadcast_in_dim3A_644 = arith.constant 14 : i32
      %broadcast_in_dim3A_645 = vector.broadcast %broadcast_in_dim3A_644 : i32 to vector<16xi32>
      %lt3A_646 = arith.constant 0 : i32
      %lt3A_647 = vector.broadcast %lt3A_646 : i32 to vector<16xi32>
      %lt3A_648 = arith.cmpi slt, %broadcast_in_dim3A_645, %lt3A_647 : vector<16xi32>
      %add3A_649 = arith.constant 16 : i32
      %add3A_650 = vector.broadcast %add3A_649 : i32 to vector<16xi32>
      %add3A_651 = arith.addi %broadcast_in_dim3A_645, %add3A_650 : vector<16xi32>
      %select_n3A_652 = arith.select %lt3A_648, %add3A_651, %broadcast_in_dim3A_645 : vector<16xi1>, vector<16xi32>
      %broadcast_in_dim3A_653 = vector.shape_cast %select_n3A_652 : vector<16xi32> to vector<16x1xi32>
      %gather3A_654 = vector.shape_cast %broadcast_in_dim3A_653 : vector<16x1xi32> to vector<16xi32>
      %gather3A_655 = tpu.dynamic_gather %get3A_112[%gather3A_654] in [0] : vector<16xf32>, vector<16xi32> -> vector<16xf32>
      %sub3A_656 = arith.subf %select_n3A_87, %gather3A_655 : vector<16xf32>
      %mul3A_657 = arith.mulf %sub3A_643, %sub3A_643 : vector<16xf32>
      %mul3A_658 = arith.mulf %sub3A_656, %sub3A_656 : vector<16xf32>
      %add3A_659 = arith.addf %mul3A_657, %mul3A_658 : vector<16xf32>
      %lt3A_660 = arith.cmpf olt, %add3A_659, %select_n3A_629 : vector<16xf32>
      %mul3A_661 = arith.constant 16 : i32
      %mul3A_662 = arith.muli %scan3A_100, %mul3A_661 : i32
      %add3A_663 = arith.constant 14 : i32
      %add3A_664 = arith.addi %mul3A_662, %add3A_663 : i32
      %broadcast_in_dim3A_665 = vector.broadcast %add3A_664 : i32 to vector<16xi32>
      %select_n3A_666 = arith.select %lt3A_660, %add3A_659, %select_n3A_629 : vector<16xi1>, vector<16xf32>
      %select_n3A_667 = arith.select %lt3A_660, %broadcast_in_dim3A_665, %select_n3A_630 : vector<16xi1>, vector<16xi32>
      %broadcast_in_dim3A_668 = arith.constant 15 : i32
      %broadcast_in_dim3A_669 = vector.broadcast %broadcast_in_dim3A_668 : i32 to vector<16xi32>
      %lt3A_670 = arith.constant 0 : i32
      %lt3A_671 = vector.broadcast %lt3A_670 : i32 to vector<16xi32>
      %lt3A_672 = arith.cmpi slt, %broadcast_in_dim3A_669, %lt3A_671 : vector<16xi32>
      %add3A_673 = arith.constant 16 : i32
      %add3A_674 = vector.broadcast %add3A_673 : i32 to vector<16xi32>
      %add3A_675 = arith.addi %broadcast_in_dim3A_669, %add3A_674 : vector<16xi32>
      %select_n3A_676 = arith.select %lt3A_672, %add3A_675, %broadcast_in_dim3A_669 : vector<16xi1>, vector<16xi32>
      %broadcast_in_dim3A_677 = vector.shape_cast %select_n3A_676 : vector<16xi32> to vector<16x1xi32>
      %gather3A_678 = vector.shape_cast %broadcast_in_dim3A_677 : vector<16x1xi32> to vector<16xi32>
      %gather3A_679 = tpu.dynamic_gather %get3A_107[%gather3A_678] in [0] : vector<16xf32>, vector<16xi32> -> vector<16xf32>
      %sub3A_680 = arith.subf %select_n3A_60, %gather3A_679 : vector<16xf32>
      %broadcast_in_dim3A_681 = arith.constant 15 : i32
      %broadcast_in_dim3A_682 = vector.broadcast %broadcast_in_dim3A_681 : i32 to vector<16xi32>
      %lt3A_683 = arith.constant 0 : i32
      %lt3A_684 = vector.broadcast %lt3A_683 : i32 to vector<16xi32>
      %lt3A_685 = arith.cmpi slt, %broadcast_in_dim3A_682, %lt3A_684 : vector<16xi32>
      %add3A_686 = arith.constant 16 : i32
      %add3A_687 = vector.broadcast %add3A_686 : i32 to vector<16xi32>
      %add3A_688 = arith.addi %broadcast_in_dim3A_682, %add3A_687 : vector<16xi32>
      %select_n3A_689 = arith.select %lt3A_685, %add3A_688, %broadcast_in_dim3A_682 : vector<16xi1>, vector<16xi32>
      %broadcast_in_dim3A_690 = vector.shape_cast %select_n3A_689 : vector<16xi32> to vector<16x1xi32>
      %gather3A_691 = vector.shape_cast %broadcast_in_dim3A_690 : vector<16x1xi32> to vector<16xi32>
      %gather3A_692 = tpu.dynamic_gather %get3A_112[%gather3A_691] in [0] : vector<16xf32>, vector<16xi32> -> vector<16xf32>
      %sub3A_693 = arith.subf %select_n3A_87, %gather3A_692 : vector<16xf32>
      %mul3A_694 = arith.mulf %sub3A_680, %sub3A_680 : vector<16xf32>
      %mul3A_695 = arith.mulf %sub3A_693, %sub3A_693 : vector<16xf32>
      %add3A_696 = arith.addf %mul3A_694, %mul3A_695 : vector<16xf32>
      %lt3A_697 = arith.cmpf olt, %add3A_696, %select_n3A_666 : vector<16xf32>
      %mul3A_698 = arith.constant 16 : i32
      %mul3A_699 = arith.muli %scan3A_100, %mul3A_698 : i32
      %add3A_700 = arith.constant 15 : i32
      %add3A_701 = arith.addi %mul3A_699, %add3A_700 : i32
      %broadcast_in_dim3A_702 = vector.broadcast %add3A_701 : i32 to vector<16xi32>
      %select_n3A_703 = arith.select %lt3A_697, %add3A_696, %select_n3A_666 : vector<16xi1>, vector<16xf32>
      %select_n3A_704 = arith.select %lt3A_697, %broadcast_in_dim3A_702, %select_n3A_667 : vector<16xi1>, vector<16xi32>
      scf.yield %select_n3A_703, %select_n3A_704 : vector<16xf32>, vector<16xi32>
    }
    %scan3A_96 = arith.constant 16 : i32
    %swap3A = arith.constant 0 : index
    %swap3A_97 = tpu.vector_load %arg7[%swap3A] {strides = array<i32>} : memref<16xi32, #tpu.memory_space<vmem>>, vector<16xi32>,
    %swap3A_98 = vector.shape_cast %swap3A_97 : vector<16xi32> to vector<16xi32>
    %swap3A_99 = vector.shape_cast %scan3A_95#1 : vector<16xi32> to vector<16xi32>
    tpu.vector_store %arg7[%swap3A], %swap3A_99 {strides = array<i32>} : memref<16xi32, #tpu.memory_space<vmem>>, vector<16xi32>,
    "tpu.region"() ({
      %run_scoped3A = tpu.sem_alloc : memref<!tpu.dma_semaphore, #tpu.memory_space<semaphore_mem>>
      %dma_start3A_100 = tpu.memref_slice %arg3[%mul3A_2] : memref<512xi32, #tpu.memory_space<hbm>> -> memref<16xi32, #tpu.memory_space<hbm>>
      %dma_start3A_101 = tpu.memref_slice %arg3[%mul3A_2] : memref<512xi32, #tpu.memory_space<hbm>> -> memref<16xi32, #tpu.memory_space<hbm>>
      tpu.enqueue_dma source(%arg7 : memref<16xi32, #tpu.memory_space<vmem>>) target(%dma_start3A_101 : memref<16xi32, #tpu.memory_space<hbm>>) target_semaphore(%run_scoped3A : memref<!tpu.dma_semaphore, #tpu.memory_space<semaphore_mem>>)
      %dma_wait3A_102 = tpu.memref_slice %arg3[%mul3A_2] : memref<512xi32, #tpu.memory_space<hbm>> -> memref<16xi32, #tpu.memory_space<hbm>>
      %dma_wait3A_103 = tpu.memref_slice %arg3[%mul3A_2] : memref<512xi32, #tpu.memory_space<hbm>> -> memref<16xi32, #tpu.memory_space<hbm>>
      tpu.wait_dma2 semaphore(%run_scoped3A : memref<!tpu.dma_semaphore, #tpu.memory_space<semaphore_mem>>) src(%arg7 : memref<16xi32, #tpu.memory_space<vmem>>) dst(%dma_wait3A_103 : memref<16xi32, #tpu.memory_space<hbm>>)
      tpu.yield
    }) : () -> ()
    return
  }
}

module attributes {stable_mosaic.version = 14 : i64} {
  func.func @_bcast_body(%arg0: i32, %arg1: memref<512xi32, #tpu.memory_space<vmem>>, %arg2: memref<128x256xf32, #tpu.memory_space<vmem>>, %arg3: memref<16x512x128xf32, #tpu.memory_space<vmem>>, %arg4: memref<512x128xf32, #tpu.memory_space<vmem>>) attributes {dimension_semantics = [#tpu.dimension_semantics<arbitrary>], iteration_bounds = array<i64: 32>, scalar_prefetch = 0 : i64, scratch_operands = 1 : i64, tpu.core_type = #tpu.core_type<tc>, window_params = [{pipeline_mode = #tpu.pipeline_mode<synchronous>, transform_indices = @transform_0, window_bounds = array<i64: 512>}, {pipeline_mode = #tpu.pipeline_mode<synchronous>, transform_indices = @transform_1, window_bounds = array<i64: 128, 256>}, {transform_indices = @transform_2, window_bounds = array<i64: 16, 512, 128>}]} {
    %eq3A = arith.constant 0 : i32
    %eq3A_0 = arith.cmpi eq, %arg0, %eq3A : i32
    %convert_element_type3A = arith.extui %eq3A_0 : i1 to i32
    %cond3A = arith.constant 0 : i32
    %cond3A_1 = arith.cmpi ne, %convert_element_type3A, %cond3A : i32
    scf.if %cond3A_1 {
      %get3A_9 = arith.constant 0 : index
      %get3A_10 = vector.load %arg1[%get3A_9] : memref<512xi32, #tpu.memory_space<vmem>>, vector<512xi32>
      %broadcast_in_dim3A_11 = vector.shape_cast %get3A_10 : vector<512xi32> to vector<1x512xi32>
      %iota3A = tpu.iota {dimensions = array<i32: 0>} : vector<256x512xi32>
      %eq3A_12 = vector.broadcast %broadcast_in_dim3A_11 : vector<1x512xi32> to vector<256x512xi32>
      %eq3A_13 = arith.cmpi eq, %eq3A_12, %iota3A : vector<256x512xi32>
      %convert_element_type3A_14 = arith.extui %eq3A_13 : vector<256x512xi1> to vector<256x512xi32>
      %convert_element_type3A_15 = arith.sitofp %convert_element_type3A_14 : vector<256x512xi32> to vector<256x512xf32>
      %get3A_16 = arith.constant 0 : index
      %get3A_17 = arith.constant 0 : index
      %get3A_18 = vector.load %arg2[%get3A_16, %get3A_17] : memref<128x256xf32, #tpu.memory_space<vmem>>, vector<128x256xf32>
      %dot_general3A = arith.constant dense<0.000000e+00> : vector<512x128xf32>
      %dot_general3A_19 = tpu.matmul %convert_element_type3A_15, %get3A_18, %dot_general3A {dimension_numbers = #tpu.dot_dimension_numbers<[0], [1], [1], [0], [0, 1, 1, 0], [], []>, precision = #tpu.contract_precision<fp32>, transpose_lhs_hint = false} : vector<256x512xf32>, vector<128x256xf32>, vector<512x128xf32> -> vector<512x128xf32>
      %swap3A_20 = arith.constant 0 : index
      %swap3A_21 = arith.constant 0 : index
      %swap3A_22 = vector.load %arg4[%swap3A_20, %swap3A_21] : memref<512x128xf32, #tpu.memory_space<vmem>>, vector<512x128xf32>
      tpu.vector_store %arg4[%swap3A_20, %swap3A_21], %dot_general3A_19 {strides = array<i32>} : memref<512x128xf32, #tpu.memory_space<vmem>>, vector<512x128xf32>,
    } else {
    }
    %get3A = arith.constant 0 : index
    %get3A_2 = arith.constant 0 : index
    %get3A_3 = vector.load %arg4[%get3A, %get3A_2] : memref<512x128xf32, #tpu.memory_space<vmem>>, vector<512x128xf32>
    %broadcast_in_dim3A = vector.shape_cast %get3A_3 : vector<512x128xf32> to vector<1x512x128xf32>
    %broadcast_in_dim3A_4 = vector.shape_cast %broadcast_in_dim3A : vector<1x512x128xf32> to vector<1x512x128xf32>
    %broadcast_in_dim3A_5 = vector.broadcast %broadcast_in_dim3A_4 : vector<1x512x128xf32> to vector<16x512x128xf32>
    %swap3A = arith.constant 0 : index
    %swap3A_6 = arith.constant 0 : index
    %swap3A_7 = arith.constant 0 : index
    %swap3A_8 = vector.load %arg3[%swap3A, %swap3A_6, %swap3A_7] : memref<16x512x128xf32, #tpu.memory_space<vmem>>, vector<16x512x128xf32>
    tpu.vector_store %arg3[%swap3A, %swap3A_6, %swap3A_7], %broadcast_in_dim3A_5 {strides = array<i32>} : memref<16x512x128xf32, #tpu.memory_space<vmem>>, vector<16x512x128xf32>,
    return
  }
  func.func @transform_0(%arg0: i32) -> i32 {
    %c0_i32 = arith.constant 0 : i32
    %c0_i32_0 = arith.constant 0 : i32
    return %c0_i32 : i32
  }
  func.func @transform_1(%arg0: i32) -> (i32, i32) {
    %c0_i32 = arith.constant 0 : i32
    %c0_i32_0 = arith.constant 0 : i32
    %c0_i32_1 = arith.constant 0 : i32
    return %c0_i32, %c0_i32_0 : i32, i32
  }
  func.func @transform_2(%arg0: i32) -> (i32, i32, i32) {
    %c0_i32 = arith.constant 0 : i32
    %c0_i32_0 = arith.constant 0 : i32
    %c0_i32_1 = arith.constant 0 : i32
    return %arg0, %c0_i32, %c0_i32_0 : i32, i32, i32
  }
}

</mosaic_0001>

<sc_bundles>
// kernel: kernel.4.cloned.1.call-start
scs
__scs_entry_jumppad:
0x0: {  	(pc) =	sbr.rel $0x88, $3  }
0x1: {  	(tag) =	ssettag $0x0;
	lr =	simm.s32 $0x1  }
0x2: {  	[smem:$0x3F9E] =	sst lr;
	_ =	strace $0xD0000000  }
0x3: {  	_ = 	snop  }
0x4: {  	_ = 	snop  }
0x5: {  	_ = 	snop  }
0x6: {  	_ = 	snop  }
0x7: {  	_ = 	snop  }
__scs_overlays_trampoline_lowered:
0x8: {  	[smem:$0x3FAD] =	sst s0  }
0x9: {  	[smem:$0x3FAE] =	sst s1  }
0xa: {  	[smem:$0x3FAF] =	sst s2  }
0xb: {  	[smem:$0x3FB0] =	sst s3  }
0xc: {  	[smem:$0x3FB1] =	sst s4  }
0xd: {  	[smem:$0x3FB2] =	sst s5  }
0xe: {  	[smem:$0x3FB3] =	sst s6  }
0xf: {  	[smem:$0x3FB4] =	sst s7  }
0x10: {  	[smem:$0x3FB5] =	sst s8  }
0x11: {  	[smem:$0x3FB6] =	sst s9;
	s0 =	simm.s32 @!p0 $0x0  }
0x12: {  	s1 =	sld [smem:$0x3F9C];
	s0 =	simm.s32 @p0 $0x1  }
0x13: {  	[smem:$0x3FB7] =	sst s0;
	s0 =	simm.s32 @!p1 $0x0  }
0x14: {  	s2 =	sld [smem:$0x3F9B];
	s0 =	simm.s32 @p1 $0x1  }
0x15: {  	[smem:$0x3FB8] =	sst s0;
	s0 =	simm.s32 @!p2 $0x0  }
0x16: {  	s3 =	sld [smem:$0x3FDB];
	s0 =	simm.s32 @p2 $0x1  }
0x17: {  	s4 =	simm.s32 $0x1BF5;
	[smem:$0x3FBA] =	sst s0  }
0x18: {  	s0 =	sld [smem:$0x3F9D];
	_ =	swait.ge [sflag:s4], $0x0  }
0x19: {  	s7 =	sld [smem:$0x3F9E]  }
0x1a: {  	s8 =	sadd.s32 $0xFFFFE003, lr  }
0x1b: {  	s9 =	sadd.s32 $0xFFFFFEF7, lr;
	s5 =	simm.s32 $0xFFFFFFFF;
	p2 =	slt.u32 s8, $0xFFFFF086  }
0x1c: {  	p1 =	slt.u32 s9, $0xF7A;
	s5 =	simm.s32 @!p2 $0x0  }
0x1d: {  	s5 =	simm.s32 @p1 $0x1;
	p0 =	seq.s32 s7, s2  }
0x1e: {  	s7 =	smul.u32 @!p0 $0xF7A, s2;
	p2 =	seq.s32 @!p0 s5, $0x0  }
0x1f: {  	s9 =	smul.u32 $0xF7A, s1;
	s8 =	simm.s32 @!p0 $0x1BF5;
	p2 =	por !p2, p0  }
0x20: {  	[sflag:s8] =	ssyncset.s32 @!p0 $0xFFFFF086;
	s6 =	sadd.s32 @!p0 s3, s7;
	s7 =	simm.s32 @!p0 $0x108  }
0x21: {  	s3 =	sadd.s32 s3, s9;
	s6 =	sadd.s32 @!p0 $0x88, s6;
	s7 =	simm.s32 @p2 $0x1082  }
0x22: {  	[simem:s7], [sflag:s8] =	dma.local @!p0 [hbm:s6], $0xF7A  }
0x23: {  	s9 =	sor.u32 $0xD0000000, s2;
	s6 =	simm.s32 $0x108;
	_ =	swait.ge @!p0 [sflag:s8], $0x0  }
0x24: {  	s3 =	sadd.s32 $0x88, s3;
	s6 =	simm.s32 @!p1 $0x1082;
	[sflag:s4] =	ssyncset.s32 $0xFFFFF086  }
0x25: {  	[simem:s6], [sflag:s4] =	dma.local [hbm:s3], $0xF7A  }
0x26: {  	[smem:$0x3F9E] =	sst s1;
	(tag) =	ssettag s2;
	_ =	strace s9  }
0x27: {  	s1 =	sld [smem:$0x3FAE]  }
0x28: {  	s2 =	sld [smem:$0x3FAF]  }
0x29: {  	s4 =	sld [smem:$0x3FB1]  }
0x2a: {  	p0 =	seq.s32 s5, $0x0;
	s5 =	sld [smem:$0x3FB2]  }
0x2b: {  	s6 =	sld [smem:$0x3FB3]  }
0x2c: {  	s7 =	sld [smem:$0x3FB4]  }
0x2d: {  	s3 =	simm.s32 $0x108;
	s8 =	sld [smem:$0x3FB5]  }
0x2e: {  	s3 =	simm.s32 @!p0 $0x1082;
	s9 =	sld [smem:$0x3FB6]  }
0x2f: {  	lr =	sadd.s32 s0, s3;
	s0 =	sld [smem:$0x3FAD]  }
0x30: {  	s3 =	sld [smem:$0x3FB0]  }
0x31: {  	[smem:$0x3FB9] =	sst s10  }
0x32: {  	s10 =	sld [smem:$0x3FB7];
	_ =	sdelay $0x3  }
0x33: {  	p0 =	seq.s32 s10, $0x1;
	s10 =	sld [smem:$0x3FB9];
	_ =	sdelay $0x3  }
0x34: {  	[smem:$0x3FB9] =	sst s10  }
0x35: {  	s10 =	sld [smem:$0x3FB8];
	_ =	sdelay $0x3  }
0x36: {  	p1 =	seq.s32 s10, $0x1;
	s10 =	sld [smem:$0x3FB9];
	_ =	sdelay $0x3  }
0x37: {  	[smem:$0x3FB9] =	sst s10  }
0x38: {  	s10 =	sld [smem:$0x3FBA]  }
0x39: {  	_ = 	snop;
	(pc) =	sbr.ind lr, $3  }
0x3a: {  	_ = 	snop  }
0x3b: {  	_ = 	snop  }
0x3c: {  	p2 =	seq.s32 s10, $0x1;
	s10 =	sld [smem:$0x3FB9]  }
0x3d: {  	_ =	shalt  }
0x3e: {  	_ =	shalt  }
0x3f: {  	_ =	shalt  }
0x40: {  	_ =	shalt  }
0x41: {  	_ =	shalt  }
0x42: {  	_ =	shalt  }
0x43: {  	_ =	shalt  }
0x44: {  	_ =	shalt  }
0x45: {  	_ =	shalt  }
0x46: {  	_ =	shalt  }
0x47: {  	_ =	shalt  }
0x48: {  	_ =	shalt  }
0x49: {  	_ =	shalt  }
0x4a: {  	_ =	shalt  }
0x4b: {  	_ =	shalt  }
0x4c: {  	_ =	shalt  }
0x4d: {  	_ =	shalt  }
0x4e: {  	_ =	shalt  }
0x4f: {  	_ =	shalt  }
0x50: {  	_ =	shalt  }
0x51: {  	_ =	shalt  }
0x52: {  	_ =	shalt  }
0x53: {  	_ =	shalt  }
0x54: {  	_ =	shalt  }
0x55: {  	_ =	shalt  }
0x56: {  	_ =	shalt  }
0x57: {  	_ =	shalt  }
0x58: {  	_ =	shalt  }
0x59: {  	_ =	shalt  }
0x5a: {  	_ =	shalt  }
0x5b: {  	_ =	shalt  }
0x5c: {  	_ =	shalt  }
0x5d: {  	_ =	shalt  }
0x5e: {  	_ =	shalt  }
0x5f: {  	_ =	shalt  }
0x60: {  	_ =	shalt  }
0x61: {  	_ =	shalt  }
0x62: {  	_ =	shalt  }
0x63: {  	_ =	shalt  }
0x64: {  	_ =	shalt  }
0x65: {  	_ =	shalt  }
0x66: {  	_ =	shalt  }
0x67: {  	_ =	shalt  }
0x68: {  	_ =	shalt  }
0x69: {  	_ =	shalt  }
0x6a: {  	_ =	shalt  }
0x6b: {  	_ =	shalt  }
0x6c: {  	_ =	shalt  }
0x6d: {  	_ =	shalt  }
0x6e: {  	_ =	shalt  }
0x6f: {  	_ =	shalt  }
0x70: {  	_ =	shalt  }
0x71: {  	_ =	shalt  }
0x72: {  	_ =	shalt  }
0x73: {  	_ =	shalt  }
0x74: {  	_ =	shalt  }
0x75: {  	_ =	shalt  }
0x76: {  	_ =	shalt  }
0x77: {  	_ =	shalt  }
0x78: {  	_ =	shalt  }
0x79: {  	_ =	shalt  }
0x7a: {  	_ =	shalt  }
0x7b: {  	_ =	shalt  }
0x7c: {  	_ =	shalt  }
0x7d: {  	_ =	shalt  }
0x7e: {  	_ =	shalt  }
0x7f: {  	_ =	shalt  }
0x80: {  	_ =	shalt  }
0x81: {  	_ =	shalt  }
0x82: {  	_ =	shalt  }
0x83: {  	_ =	shalt  }
0x84: {  	_ =	shalt  }
0x85: {  	_ =	shalt  }
0x86: {  	_ =	shalt  }
0x87: {  	_ =	shalt  }
.Lfunc_end0:
.L_simem_size_0:
called_computation_lowered:
.L_overlay_start_0:
0x88: {  	s2 =	sld [smem:$0x3FD9]  }
0x89: {  	s3 =	sld [smem:$0x3FFE];
	_ =	sdelay $0x1  }
0x8a: {  	s1 =	srdreg.scid  }
0x8b: {  	s0 =	sand.u32 $0x1, s1  }
0x8c: {  	s17 =	sshll.u32 s0, $0xA;
	s2 =	sadd.s32 s3, s2  }
0x8d: {  	s2 =	sadd.s32 s2, s17  }
0x8e: {  	[smem:$0x3FC5] =	sst s2  }
0x8f: {  	_ = 	snop  }
0x90: {  	s2 =	sld [smem:$0x3FD0];
	(tm) =	ssettm $0x1  }
0x91: {  	s18 =	sld [smem:$0x3FFB];
	_ =	sdelay $0x3  }
0x92: {  	_ =	strace s18  }
0x93: {  	s3 =	sld [smem:$0x3FFC];
	_ =	sdelay $0x3  }
0x94: {  	_ =	strace s3  }
0x95: {  	s3 =	sld [smem:$0x3FFD];
	_ =	sdelay $0x3  }
0x96: {  	_ =	strace s3  }
0x97: {  	_ =	strace $0x8FFFFFFF  }
0x98: {  	s19 =	sld [smem:$0x3FDB];
	_ =	sdelay $0x1  }
0x99: {  	s4 =	simm.s32 $_scs_section_size  }
0x9a: {  	s5 =	simm.s32 $_size__tile_overlayer_lowered;
	s6 =	simm.s32 $_tile_overlayer_lowered  }
0x9b: {  	s22 =	simm.s32 $0x1BFF;
	s21 =	sshll.u32 s6, $0x1;
	s3 =	sadd.s32 s4, s19  }
0x9c: {  	s7 =	simm.s32 $0x0;
	s20 =	sshll.u32 s5, $0x1;
	s5 =	sadd.s32 s21, s3  }
0x9d: {  	[timem:s7], [sflag:s22] =	dma.local [hbm:s5], s20  }
0x9e: {  	_ =	swait.ge [sflag:s22], s20  }
0x9f: {  	s4 =	ssub.s32 $0x0, s20;
	[sflag:s22] =	ssyncset.done $0x0  }
0xa0: {  	[sflag:s22] =	ssyncadd.s32 s4;
	_ =	sdelay $0x1  }
0xa1: {  	s23 =	simm.s32 $0x1B8B  }
0xa2: {  	_ =	swait.ge [sflag:s23], $0x1  }
0xa3: {  	[sflag:s23] =	ssyncset.done $0x0  }
0xa4: {  	s25 =	simm.s32 $0x1B8E;
	s24 =	sld [smem:$0x3FFE];
	[sflag:s23] =	ssyncadd.s32 $0xFFFFFFFF  }
0xa5: {  	s26 =	simm.s32 $execute0_lowered;
	[smem:$0x3FD2] =	sst s25  }
0xa6: {  	s5 =	sshll.u32 s26, $0x1;
	_ =	strace $0x80000046;
	[dreg:$0x1] =	wrdreg $0xFFFFFFFF  }
0xa7: {  	s28 =	simm.s32 $_size_execute0_lowered;
	s3 =	sadd.s32 s3, s5;
	[dreg:$0x0] =	wrdreg $0x0  }
0xa8: {  	s5 =	sshll.u32 s28, $0x1;
	[dreg:$0x2] =	wrdreg s3  }
0xa9: {  	[dreg:$0x3] =	wrdreg s5  }
0xaa: {  	[dreg:$0x4] =	wrdreg $0xC0  }
0xab: {  	_ =	task [dreg:s7], $0x5FFFF  }
0xac: {  	[dreg:$0x1] =	wrdreg $0xFFFFFFFF  }
0xad: {  	[dreg:$0x0] =	wrdreg $0x60  }
0xae: {  	[dreg:$0x2] =	wrdreg s2  }
0xaf: {  	[dreg:$0x3] =	wrdreg s24  }
0xb0: {  	[dreg:$0x4] =	wrdreg $0x9  }
0xb1: {  	_ =	task.clear_ibuf [dreg:s7], $0x5FFFF;
	_ =	strace $0x90000046  }
0xb2: {  	s29 =	simm.s32 $0x9;
	_ =	strace $0x80000048  }
0xb3: {  	_ =	swait.ge [sflag:s29], $0x1  }
0xb4: {  	[sflag:s29] =	ssyncadd.s32 $0xFFFFFFFF  }
0xb5: {  	_ =	strace $0x90000048  }
0xb6: {  	_ =	sfence  }
0xb7: {  	s30 =	sld [smem:$0x0];
	_ =	sdelay $0x2  }
0xb8: {  	s31 =	sshll.u32 s1, $0xD;
	s1 =	sshrl.u32 s1, $0x2  }
0xb9: {  	s3 =	sand.u32 $0x4000, s31;
	s1 =	sadd.s32 s1, s30  }
0xba: {  	s0 =	sor.u32 s3, s0;
	s1 =	sshll.u32 s1, $0x11  }
0xbb: {  	s0 =	sor.u32 s1, s0  }
0xbc: {  	s0 =	sadd.s32 $0x8F2B, s0  }
0xbd: {  	[sflag:s0] =	ssyncadd.remote.s32 $0x1  }
0xbe: {  	_ =	sfence.sel $0xFFFF  }
0xbf: {  	[dreg:$0x0] =	wrdreg $0xFFFFFFFF;
	(pc) =	sbr.abs _section_cstart, $3  }
0xc0: {  	[dreg:$0x1] =	wrdreg $0xFFFFFFFF  }
0xc1: {  	_ =	task.clear_ibuf [dreg:s7], $0x2FFFF;
	_ =	strace $0x9FFFFFFF  }
0xc2: {  	(tm) =	ssettm $0x7FFFFFFF  }
0xc3: {  	_ =	shalt  }
tec
execute0_lowered:
.L_overlay_start_1:
0x0: {  	(tag) =	ssettag $0x1  }
0x1: {  	v0 =	vimm.s32 $0xECA86420;
	s5 =	rddreg [dreg:$0x0];
	v1 =	vimm.s32 $0xFDB97531  }
0x2: {  	v2 =	vimm.s32 $0xFDB97530;
	s3 =	rddreg [dreg:$0x1];
	vm1 =	vcmask $0x2300;
	vm2 =	vcmask $0x3F24  }
0x3: {  	s0 =	rddreg [dreg:$0x2];
	vm0 =	vmmov $0xff;
	v6 =	vimm.s32 $0x2;
	v7 =	vimm.s32 $0x3  }
0x4: {  	s4 =	srdreg.scid;
	s1 =	stileid.u32;
	v8 =	vimm.s32 $0x4;
	v9 =	vimm.s32 $0x5;
	v0 =	vunpack.c.l.s4.s8 v0  }
0x5: {  	s2 =	simm.s32 $0x0;
	v10 =	vimm.s32 $0x6;
	v11 =	vimm.s32 $0x7;
	v12 =	vimm.s32 $0x8;
	s9 =	simm.s32 $0x280;
	s10 =	simm.s32 $0x2  }
0x6: {  	v13 =	vimm.s32 $0x9;
	s11 =	simm.s32 $0x0;
	v1 =	vunpack.c.l.s4.s8 v1;
	s4 =	sand.u32 $0x1, s4;
	s6 =	sshll.u32 s1, $0x1;
	v3 =	vunpack.c.0.s8.s32 v0  }
0x7: {  	v14 =	vimm.s32 $0xA;
	v15 =	vimm.s32 $0xB;
	v2 =	vunpack.c.l.s4.s8 v2;
	[smem:$0x7FF] =	sst s2;
	s6 =	sor.u32 s4, s6;
	s4 =	ssub.s32 $0x2, s4  }
0x8: {  	v16 =	vimm.s32 $0xC;
	v4 =	vunpack.c.0.s8.s32 v1;
	s7 =	sshll.u32 s6, $0x1;
	s8 =	sshrl.u32 s4, $0x1;
	s31 =	sshll.u32 s6, $0x2;
	v0 =	vnsel vm1, $0x0, v3  }
0x9: {  	v17 =	vimm.s32 $0xD;
	v5 =	vunpack.c.0.s8.s32 v2;
	s7 =	sadd.s32 s7, s3;
	s8 =	ssub.s32 s4, s8;
	s3 =	sadd.s32 s5, s31;
	[tilespmem:$0x1FFE0] =	vst v0;
	v0 =	vnsel vm2, $0x0, v3  }
0xa: {  	v18 =	vimm.s32 $0xE;
	v19 =	vimm.s32 $0xF;
	s4 =	sadd.s32 $0x80, s5;
	s5 =	sadd.s32 $0xA0, s5;
	v2 =	vnsel vm1, $0x1, v4;
	s6 =	sadd.s32 $0x600, s7;
	[tilespmem:$0x1FFF0] =	vst v0  }
0xb: {  	v4 =	vimm.s32 $0x0;
	s7 =	smax.u32 s8, $0x1;
	s8 =	simm.s32 $0x1;
	v3 =	vnsel vm2, $0x1, v5;
	v5 =	vimm.s32 $0x1;
	_ =	strace $0x80000047  }
.LBB2_1:
0xc: {  	[tilespmem:s2], [sflag:$0x1] =	stream.linear.gather [hbm4b:s3+s2], $0x20, $0x38;
	[tilespmem:$0x300] =	vst v63  }
0xd: {  	s12 =	simm.s32 $0x80  }
0xe: {  	[tilespmem:s12], [sflag:$0x1] =	stream.linear.gather [hbm4b:s4+s2], $0x100, $0x38;
	[tilespmem:$0x300] =	vst v63  }
0xf: {  	s13 =	simm.s32 $0x180  }
0x10: {  	[tilespmem:s13], [sflag:$0x1] =	stream.linear.gather [hbm4b:s5+s2], $0x100, $0x38;
	[tilespmem:$0x300] =	vst v63  }
0x11: {  	_ =	swait.ge [sflag:s8], $0x20  }
0x12: {  	[sflag:s8] =	ssyncset.done $0x0  }
0x13: {  	[sflag:s8] =	ssyncadd.s32 $0xFFFFFFE0  }
0x14: {  	_ =	swait.ge [sflag:s8], $0x100  }
0x15: {  	[sflag:s8] =	ssyncset.done $0x0  }
0x16: {  	[sflag:s8] =	ssyncadd.s32 $0xFFFFFF00  }
0x17: {  	_ =	swait.ge [sflag:s8], $0x100  }
0x18: {  	[sflag:s8] =	ssyncset.done $0x0  }
0x19: {  	v0 =	vld [tilespmem:$0x1FFE0];
	[sflag:s8] =	ssyncadd.s32 $0xFFFFFF00  }
0x1a: {  	v20 =	vld [tilespmem:$0x0]  }
0x1b: {  	v23 =	vld [tilespmem:s12+$0x0]  }
0x1c: {  	v24 =	vld [tilespmem:s13+$0x0];
	_ =	sdelay $0x2  }
0x1d: {  	v22 =	vperm.xlane v20, v0;
	v26 =	vperm.xlane v20, v2  }
0x1e: {  	v27 =	vperm.xlane v23, v4;
	v28 =	vperm.xlane v23, v19  }
0x1f: {  	v29 =	vperm.xlane v24, v6;
	v30 =	vperm.xlane v23, v8  }
0x20: {  	v21 =	vld [tilespmem:$0x10];
	v31 =	vperm.xlane v24, v7;
	v32 =	vperm.xlane v23, v15  }
0x21: {  	v0 =	vld [tilespmem:$0x1FFF0];
	v33 =	vperm.xlane v24, v17;
	v36 =	vperm.xlane v24, v5  }
0x22: {  	v37 =	vperm.xlane v24, v16;
	v38 =	vperm.xlane v23, v7  }
0x23: {  	v39 =	vperm.xlane v23, v11;
	v40 =	vperm.xlane v24, v12  }
0x24: {  	v41 =	vperm.xlane v24, v4;
	v42 =	vperm.xlane v24, v8  }
0x25: {  	v43 =	vperm.xlane v23, v12;
	v51 =	vperm.xlane v23, v6  }
0x26: {  	v45 =	vperm.xlane v23, v10;
	v25 =	vperm.xlane v21, v0  }
0x27: {  	v35 =	vimm.f32 $+Inf;
	v46 =	vperm.xlane v24, v9;
	v21 =	vperm.xlane v21, v3  }
0x28: {  	v52 =	vperm.xlane v23, v13;
	v48 =	vperm.xlane v24, v11;
	v20 =	vsel vm0, v22, v25  }
0x29: {  	v61 =	vperm.xlane v24, v13;
	v21 =	vsel vm0, v26, v21;
	v27 =	vsub.f32 v20, v27  }
0x2a: {  	v62 =	vperm.xlane v24, v15;
	v30 =	vsub.f32 v20, v30;
	v31 =	vsub.f32 v21, v31  }
0x2b: {  	v63 =	vperm.xlane v23, v14;
	v36 =	vsub.f32 v21, v36;
	v32 =	vsub.f32 v20, v32  }
0x2c: {  	v22 =	vperm.xlane v23, v5;
	v44 =	vsub.f32 v21, v33;
	v29 =	vsub.f32 v21, v29  }
0x2d: {  	v25 =	vperm.xlane v23, v18;
	v45 =	vsub.f32 v20, v45;
	v38 =	vsub.f32 v20, v38  }
0x2e: {  	v26 =	vperm.xlane v23, v9;
	v49 =	vsub.f32 v20, v52;
	v55 =	vsub.f32 v21, v48  }
0x2f: {  	v42 =	vsub.f32 v21, v42;
	v56 =	vsub.f32 v21, v41;
	v34 =	vmul.f32 v27, v27  }
0x30: {  	v58 =	vsub.f32 v21, v40;
	v27 =	vperm.xlane v24, v14;
	v30 =	vmul.f32 v30, v30  }
0x31: {  	v22 =	vsub.f32 v20, v22;
	v50 =	vmul.f32 v36, v36;
	v31 =	vmul.f32 v31, v31  }
0x32: {  	v26 =	vsub.f32 v20, v26;
	v29 =	vmul.f32 v29, v29;
	v54 =	vmul.f32 v45, v45  }
0x33: {  	v25 =	vsub.f32 v20, v25;
	v57 =	vmul.f32 v55, v55;
	v41 =	vmul.f32 v56, v56  }
0x34: {  	v36 =	vsub.f32 v20, v51;
	v56 =	vperm.xlane v24, v18;
	v22 =	vmul.f32 v22, v22  }
0x35: {  	s17 =	simm.s32 $0x90;
	v59 =	vsub.f32 v20, v43;
	v45 =	vmul.f32 v26, v26;
	v25 =	vmul.f32 v25, v25  }
0x36: {  	v40 =	vld [tilespmem:s17+$0x0];
	v60 =	vsub.f32 v21, v27;
	v36 =	vmul.f32 v36, v36;
	v52 =	vadd.f32 v41, v34  }
0x37: {  	v47 =	vadd.f32 v50, v22;
	v22 =	vperm.xlane v24, v10;
	v50 =	vsub.f32 v20, v28  }
0x38: {  	v28 =	vsub.f32 v20, v39;
	v39 =	vmul.f32 v58, v58;
	v24 =	vperm.xlane v24, v19  }
0x39: {  	v48 =	vmul.f32 v60, v60;
	v29 =	vadd.f32 v29, v36;
	v36 =	vsub.f32 v21, v56  }
0x3a: {  	vm1 =	vlt.f32 v52, v35;
	v53 =	vsub.f32 v21, v22;
	v22 =	vmul.f32 v38, v38  }
0x3b: {  	v60 =	vperm.xlane v40, v8;
	v28 =	vmul.f32 v28, v28;
	v24 =	vsub.f32 v21, v24  }
0x3c: {  	v58 =	vmul.f32 v50, v50;
	v22 =	vadd.f32 v31, v22;
	v26 =	vmul.f32 v53, v53  }
0x3d: {  	v31 =	vmul.f32 v42, v42;
	v27 =	vadd.f32 v57, v28;
	v28 =	vmul.f32 v59, v59  }
0x3e: {  	v42 =	vsub.f32 v21, v61;
	v53 =	vmul.f32 v49, v49;
	v57 =	vsel vm1, v52, v35  }
0x3f: {  	v24 =	vmul.f32 v24, v24;
	vm2 =	vlt.f32 v47, v57;
	v26 =	vadd.f32 v26, v54  }
0x40: {  	v33 =	vadd.f32 v39, v28;
	v28 =	vsub.f32 v21, v62;
	v51 =	vmul.f32 v42, v42  }
0x41: {  	s18 =	simm.s32 $0x190;
	v54 =	vperm.xlane v23, v16;
	v41 =	vadd.f32 v31, v30;
	v30 =	vmul.f32 v32, v32  }
0x42: {  	v35 =	vld [tilespmem:s18+$0x0];
	v31 =	vsub.f32 v20, v63;
	v23 =	vperm.xlane v23, v17;
	v39 =	vperm.xlane v40, v19  }
0x43: {  	v59 =	vsel vm2, v47, v57;
	v42 =	vperm.xlane v40, v18;
	v62 =	vperm.xlane v40, v15  }
0x44: {  	v63 =	vperm.xlane v40, v9;
	vm3 =	vlt.f32 v29, v59;
	v28 =	vmul.f32 v28, v28  }
0x45: {  	v34 =	vadd.f32 v51, v53;
	v55 =	vsub.f32 v20, v54;
	v53 =	vperm.xlane v40, v7  }
0x46: {  	v54 =	vperm.xlane v40, v11;
	v47 =	vsub.f32 v20, v62;
	v62 =	vperm.xlane v40, v13  }
0x47: {  	v23 =	vsub.f32 v20, v23;
	v43 =	vperm.xlane v35, v6;
	v61 =	vperm.xlane v35, v7  }
0x48: {  	v49 =	vsub.f32 v20, v63;
	v51 =	vperm.xlane v35, v5;
	v52 =	vperm.xlane v35, v16  }
0x49: {  	v57 =	vperm.xlane v35, v4;
	v0 =	vperm.xlane v35, v11;
	v28 =	vadd.f32 v28, v30  }
0x4a: {  	v30 =	vmul.f32 v31, v31;
	v31 =	vsub.f32 v21, v37;
	v32 =	vmul.f32 v55, v55  }
0x4b: {  	v23 =	vmul.f32 v23, v23;
	v53 =	vsub.f32 v20, v53;
	v62 =	vsub.f32 v20, v62  }
0x4c: {  	v55 =	vperm.xlane v35, v12;
	v43 =	vsub.f32 v21, v43;
	v0 =	vsub.f32 v21, v0  }
0x4d: {  	v38 =	vadd.f32 v48, v30;
	v30 =	vmul.f32 v31, v31;
	v31 =	vmul.f32 v44, v44  }
0x4e: {  	v54 =	vsub.f32 v20, v54;
	v44 =	vperm.xlane v35, v14;
	v43 =	vmul.f32 v43, v43  }
0x4f: {  	v0 =	vmul.f32 v0, v0;
	v32 =	vadd.f32 v30, v32;
	v37 =	vadd.f32 v31, v23  }
0x50: {  	s19 =	simm.s32 $0x0;
	v30 =	vmul.f32 v36, v36;
	v23 =	vsub.f32 v21, v46;
	v36 =	vadd.f32 v24, v58  }
0x51: {  	s20 =	simm.s32 $0x1;
	v24 =	vsel vm1, s19, v4;
	v46 =	vsub.f32 v21, v61;
	v58 =	vperm.xlane v35, v8  }
0x52: {  	v61 =	vperm.xlane v40, v10;
	v44 =	vsub.f32 v21, v44;
	v24 =	vsel vm2, s20, v24  }
0x53: {  	s21 =	simm.s32 $0x2;
	v31 =	vadd.f32 v30, v25;
	v25 =	vsel vm3, v29, v59;
	v23 =	vmul.f32 v23, v23  }
0x54: {  	v29 =	vperm.xlane v40, v4;
	v30 =	vperm.xlane v40, v5;
	v24 =	vsel vm3, s21, v24  }
0x55: {  	v59 =	vperm.xlane v40, v12;
	v61 =	vsub.f32 v20, v61;
	v46 =	vmul.f32 v46, v46  }
0x56: {  	s22 =	simm.s32 $0x3;
	v44 =	vmul.f32 v44, v44;
	vm1 =	vlt.f32 v22, v25;
	v29 =	vsub.f32 v20, v29  }
0x57: {  	v30 =	vsub.f32 v20, v30;
	v56 =	vsel vm1, s22, v24;
	v24 =	vsub.f32 v21, v51  }
0x58: {  	v23 =	vadd.f32 v23, v45;
	v45 =	vmul.f32 v53, v53;
	v22 =	vsel vm1, v22, v25  }
0x59: {  	v53 =	vmul.f32 v47, v47;
	v48 =	vmul.f32 v29, v29;
	v29 =	vsub.f32 v20, v60  }
0x5a: {  	vm2 =	vlt.f32 v41, v22;
	v30 =	vmul.f32 v30, v30;
	v24 =	vmul.f32 v24, v24  }
0x5b: {  	v60 =	vperm.xlane v35, v17;
	v25 =	vadd.f32 v46, v45;
	v51 =	vmul.f32 v29, v29  }
0x5c: {  	v29 =	vperm.xlane v40, v6;
	v30 =	vadd.f32 v24, v30;
	v24 =	vperm.xlane v35, v10  }
0x5d: {  	v41 =	vsel vm2, v41, v22;
	v46 =	vsub.f32 v20, v42;
	v50 =	vsub.f32 v21, v60  }
0x5e: {  	v60 =	vperm.xlane v35, v9;
	v63 =	vsub.f32 v20, v29;
	v1 =	vsub.f32 v21, v24  }
0x5f: {  	v29 =	vsub.f32 v20, v39;
	v39 =	vmul.f32 v61, v61;
	v61 =	vsub.f32 v21, v58  }
0x60: {  	vm4 =	vlt.f32 v23, v41;
	v24 =	vmul.f32 v49, v49;
	v1 =	vmul.f32 v1, v1  }
0x61: {  	v58 =	vsub.f32 v21, v55;
	v45 =	vmul.f32 v61, v61;
	v61 =	vsub.f32 v20, v59  }
0x62: {  	v59 =	vmul.f32 v63, v63;
	v63 =	vmul.f32 v62, v62;
	v22 =	vadd.f32 v1, v39  }
0x63: {  	v1 =	vsel vm4, v23, v41;
	v23 =	vsub.f32 v21, v57;
	v57 =	vmul.f32 v54, v54  }
0x64: {  	v39 =	vadd.f32 v43, v59;
	v54 =	vperm.xlane v40, v17;
	vm1 =	vlt.f32 v26, v1  }
0x65: {  	v49 =	vmul.f32 v23, v23;
	v23 =	vadd.f32 v0, v57;
	v0 =	vperm.xlane v40, v14  }
0x66: {  	s23 =	simm.s32 $0x4;
	v57 =	vmul.f32 v58, v58;
	v58 =	vperm.xlane v35, v13;
	v1 =	vsel vm1, v26, v1  }
0x67: {  	s24 =	simm.s32 $0x5;
	v26 =	vmul.f32 v61, v61;
	v61 =	vsel vm2, s23, v56;
	vm6 =	vlt.f32 v27, v1  }
0x68: {  	v40 =	vperm.xlane v40, v16;
	v42 =	vsel vm4, s24, v61;
	v1 =	vsel vm6, v27, v1  }
0x69: {  	v61 =	vmul.f32 v50, v50;
	v41 =	vsub.f32 v21, v58;
	vm2 =	vlt.f32 v33, v1  }
0x6a: {  	s25 =	simm.s32 $0x6;
	v27 =	vperm.xlane v35, v15;
	v26 =	vadd.f32 v57, v26;
	v1 =	vsel vm2, v33, v1  }
0x6b: {  	v48 =	vadd.f32 v49, v48;
	v55 =	vsel vm1, s25, v42;
	vm3 =	vlt.f32 v34, v1  }
0x6c: {  	v0 =	vsub.f32 v20, v0;
	v56 =	vsub.f32 v20, v40;
	v1 =	vsel vm3, v34, v1  }
0x6d: {  	v57 =	vsub.f32 v21, v52;
	v58 =	vperm.xlane v35, v18;
	vm4 =	vlt.f32 v38, v1  }
0x6e: {  	v41 =	vmul.f32 v41, v41;
	v27 =	vsub.f32 v21, v27;
	v1 =	vsel vm4, v38, v1  }
0x6f: {  	v0 =	vmul.f32 v0, v0;
	v40 =	vmul.f32 v56, v56;
	vm5 =	vlt.f32 v28, v1  }
0x70: {  	s26 =	simm.s32 $0x7;
	v62 =	vsub.f32 v21, v58;
	v49 =	vmul.f32 v27, v27;
	v1 =	vsel vm5, v28, v1  }
0x71: {  	v27 =	vadd.f32 v41, v63;
	v41 =	vsel vm6, s26, v55;
	vm6 =	vlt.f32 v32, v1  }
0x72: {  	v34 =	vadd.f32 v45, v51;
	v33 =	vadd.f32 v44, v0;
	v1 =	vsel vm6, v32, v1  }
0x73: {  	s28 =	simm.s32 $0x8;
	v0 =	vsub.f32 v20, v54;
	v63 =	vperm.xlane v35, v19;
	vm1 =	vlt.f32 v37, v1  }
0x74: {  	v59 =	vsel vm2, s28, v41;
	v41 =	vsub.f32 v21, v60;
	v1 =	vsel vm1, v37, v1  }
0x75: {  	s29 =	simm.s32 $0x9;
	v0 =	vmul.f32 v0, v0;
	v32 =	vmul.f32 v57, v57;
	vm2 =	vlt.f32 v31, v1  }
0x76: {  	v28 =	vadd.f32 v49, v53;
	v37 =	vsel vm3, s29, v59;
	v1 =	vsel vm2, v31, v1  }
0x77: {  	s30 =	simm.s32 $0xA;
	s31 =	simm.s32 $0xB;
	v32 =	vadd.f32 v32, v40;
	v40 =	vmul.f32 v46, v46;
	vm3 =	vlt.f32 v36, v1  }
0x78: {  	s14 =	simm.s32 $0xF;
	s15 =	simm.s32 $0xE;
	s16 =	simm.s32 $0x2F;
	v31 =	vadd.f32 v61, v0;
	v0 =	vsel vm4, s30, v37;
	v1 =	vsel vm3, v36, v1  }
0x79: {  	s12 =	simm.s32 $0x1F;
	s13 =	simm.s32 $0x1E;
	s17 =	simm.s32 $0xC;
	v37 =	vsub.f32 v21, v63;
	v0 =	vsel vm5, s31, v0;
	vm4 =	vlt.f32 v48, v1  }
0x7a: {  	s18 =	simm.s32 $0x1A0;
	s19 =	simm.s32 $0xD;
	v36 =	vmul.f32 v62, v62;
	v35 =	vsel vm6, s17, v0;
	s17 =	simm.s32 $0xA0;
	v42 =	vsel vm4, v48, v1  }
.LBB2_2:
0x7b: {  	s20 =	sadd.s32 $0xFFFFFFFF, s16  }
0x7c: {  	v38 =	vld [tilespmem:s17+$0x0];
	p0 =	sne.s32 s16, $0xFF;
	vm5 =	vlt.f32 v30, v42;
	v0 =	vmul.f32 v29, v29;
	v1 =	vsel vm1, s19, v35;
	s19 =	smov.u32 s16;
	s16 =	sadd.s32 $0x10, s16  }
0x7d: {  	v35 =	vld [tilespmem:s18+$0x0];
	v36 =	vadd.f32 v36, v40;
	v29 =	vmul.f32 v37, v37;
	v1 =	vsel vm2, s15, v1;
	s15 =	smov.u32 s13;
	s13 =	smov.u32 s20  }
0x7e: {  	v30 =	vsel vm5, v30, v42;
	v1 =	vsel vm3, s14, v1;
	s14 =	smov.u32 s12;
	s12 =	smov.u32 s19  }
0x7f: {  	vm1 =	vlt.f32 v39, v30;
	s19 =	sadd.s32 $0xFFFFFFF1, s14;
	v37 =	vadd.f32 v29, v0  }
0x80: {  	v0 =	vsel vm4, s19, v1;
	s19 =	sadd.s32 $0xFFFFFFF2, s14;
	v1 =	vsel vm1, v39, v30;
	v39 =	vmul.f32 v41, v41  }
0x81: {  	v29 =	vperm.xlane v38, v4;
	v43 =	vperm.xlane v38, v19;
	v0 =	vsel vm5, s19, v0;
	s19 =	sadd.s32 $0xFFFFFFF3, s14  }
0x82: {  	v30 =	vperm.xlane v38, v5;
	v44 =	vperm.xlane v38, v18;
	v0 =	vsel vm1, s19, v0  }
0x83: {  	v41 =	vperm.xlane v38, v8;
	v40 =	vperm.xlane v35, v6;
	v29 =	vsub.f32 v20, v29  }
0x84: {  	v45 =	vperm.xlane v38, v15;
	v42 =	vperm.xlane v35, v7;
	vm1 =	vlt.f32 v25, v1  }
0x85: {  	v47 =	vperm.xlane v35, v14;
	v46 =	vmul.f32 v29, v29;
	v29 =	vsub.f32 v20, v41  }
0x86: {  	v49 =	vperm.xlane v38, v9;
	v48 =	vsub.f32 v21, v42;
	v42 =	vperm.xlane v35, v17  }
0x87: {  	v50 =	vperm.xlane v35, v5;
	v30 =	vsub.f32 v20, v30;
	v41 =	vperm.xlane v35, v16  }
0x88: {  	v51 =	vperm.xlane v38, v7;
	v52 =	vperm.xlane v38, v11;
	s19 =	sadd.s32 $0xFFFFFFF4, s14;
	v45 =	vsub.f32 v20, v45  }
0x89: {  	v53 =	vperm.xlane v35, v12;
	v0 =	vsel vm1, s19, v0;
	v30 =	vmul.f32 v30, v30  }
0x8a: {  	v54 =	vperm.xlane v35, v4;
	v50 =	vsub.f32 v21, v50;
	v55 =	vmul.f32 v29, v29  }
0x8b: {  	v57 =	vperm.xlane v38, v12;
	v56 =	vperm.xlane v35, v8;
	v42 =	vsub.f32 v21, v42  }
0x8c: {  	v49 =	vsub.f32 v20, v49;
	v29 =	vmul.f32 v50, v50;
	v50 =	vperm.xlane v38, v6  }
0x8d: {  	v59 =	vperm.xlane v38, v10;
	v58 =	vsub.f32 v21, v40;
	v40 =	vperm.xlane v35, v9  }
0x8e: {  	v60 =	vperm.xlane v38, v13;
	v30 =	vadd.f32 v29, v30;
	v29 =	vperm.xlane v35, v10  }
0x8f: {  	v61 =	vperm.xlane v35, v11;
	v59 =	vsub.f32 v20, v59;
	v50 =	vsub.f32 v20, v50  }
0x90: {  	v51 =	vsub.f32 v20, v51;
	v60 =	vsub.f32 v20, v60;
	v48 =	vmul.f32 v48, v48  }
0x91: {  	v58 =	vmul.f32 v58, v58;
	v62 =	vsub.f32 v21, v29;
	v29 =	vsub.f32 v20, v43  }
0x92: {  	v39 =	vadd.f32 v39, v24;
	v52 =	vsub.f32 v20, v52;
	v43 =	vmul.f32 v59, v59  }
0x93: {  	v1 =	vsel vm1, v25, v1;
	v51 =	vmul.f32 v51, v51;
	v59 =	vsub.f32 v21, v61  }
0x94: {  	v56 =	vsub.f32 v21, v56;
	vm2 =	vlt.f32 v34, v1;
	v24 =	vmul.f32 v49, v49  }
0x95: {  	v1 =	vsel vm2, v34, v1;
	v25 =	vadd.f32 v48, v51;
	v48 =	vmul.f32 v62, v62  }
0x96: {  	v44 =	vsub.f32 v20, v44;
	v34 =	vmul.f32 v56, v56;
	vm4 =	vlt.f32 v39, v1  }
0x97: {  	v1 =	vsel vm4, v39, v1;
	v43 =	vadd.f32 v48, v43;
	v48 =	vmul.f32 v59, v59  }
0x98: {  	v49 =	vmul.f32 v52, v52;
	v39 =	vsub.f32 v21, v54;
	v51 =	vsub.f32 v21, v53  }
0x99: {  	v47 =	vsub.f32 v21, v47;
	v52 =	vsub.f32 v20, v57;
	vm1 =	vlt.f32 v22, v1  }
0x9a: {  	v39 =	vmul.f32 v39, v39;
	v48 =	vadd.f32 v48, v49;
	v49 =	vperm.xlane v38, v14  }
0x9b: {  	v53 =	vperm.xlane v35, v13;
	v1 =	vsel vm1, v22, v1;
	v51 =	vmul.f32 v51, v51;
	v22 =	vmovc v43  }
0x9c: {  	v47 =	vmul.f32 v47, v47;
	vm6 =	vlt.f32 v23, v1;
	v43 =	vmul.f32 v50, v50  }
0x9d: {  	s19 =	sadd.s32 $0xFFFFFFF5, s14;
	v1 =	vsel vm6, v23, v1;
	v50 =	vmul.f32 v52, v52;
	v52 =	vsub.f32 v21, v53;
	v23 =	vmovc v48  }
0x9e: {  	v0 =	vsel vm2, s19, v0;
	vm2 =	vlt.f32 v26, v1;
	v48 =	vperm.xlane v35, v15  }
0x9f: {  	v1 =	vsel vm2, v26, v1;
	v52 =	vmul.f32 v52, v52;
	v26 =	vadd.f32 v51, v50  }
0xa0: {  	s19 =	sadd.s32 $0xFFFFFFF6, s14;
	v46 =	vadd.f32 v39, v46;
	vm3 =	vlt.f32 v27, v1;
	v48 =	vsub.f32 v21, v48  }
0xa1: {  	v0 =	vsel vm4, s19, v0;
	v1 =	vsel vm3, v27, v1;
	v50 =	vmul.f32 v60, v60  }
0xa2: {  	vm4 =	vlt.f32 v33, v1;
	v39 =	vadd.f32 v58, v43;
	v43 =	vmul.f32 v48, v48  }
0xa3: {  	v34 =	vadd.f32 v34, v55;
	v1 =	vsel vm4, v33, v1;
	v27 =	vadd.f32 v52, v50  }
0xa4: {  	s19 =	sadd.s32 $0xFFFFFFF7, s14;
	v33 =	vmul.f32 v45, v45;
	v45 =	vperm.xlane v38, v17;
	vm5 =	vlt.f32 v28, v1  }
0xa5: {  	v0 =	vsel vm1, s19, v0;
	s19 =	sadd.s32 $0xFFFFFFF8, s14;
	v38 =	vperm.xlane v38, v16;
	v1 =	vsel vm5, v28, v1  }
0xa6: {  	v0 =	vsel vm6, s19, v0;
	vm6 =	vlt.f32 v32, v1;
	v48 =	vsub.f32 v20, v49  }
0xa7: {  	v1 =	vsel vm6, v32, v1;
	v28 =	vadd.f32 v43, v33;
	v33 =	vsub.f32 v20, v38  }
0xa8: {  	vm1 =	vlt.f32 v31, v1;
	v32 =	vmul.f32 v48, v48;
	v38 =	vsub.f32 v21, v41  }
0xa9: {  	s19 =	sadd.s32 $0xFFFFFFF9, s14;
	v1 =	vsel vm1, v31, v1;
	v43 =	vperm.xlane v35, v18;
	v41 =	vmul.f32 v33, v33  }
0xaa: {  	v0 =	vsel vm2, s19, v0;
	v31 =	vsub.f32 v20, v45;
	v33 =	vadd.f32 v47, v32  }
0xab: {  	s19 =	sadd.s32 $0xFFFFFFFA, s14;
	vm2 =	vlt.f32 v36, v1;
	v32 =	vmul.f32 v38, v38;
	v38 =	vmul.f32 v42, v42  }
0xac: {  	v0 =	vsel vm3, s19, v0;
	v31 =	vmul.f32 v31, v31;
	v1 =	vsel vm2, v36, v1  }
.Ltmp0:
0xad: {  	s19 =	sadd.s32 $0xFFFFFFFB, s14;
	vm3 =	vlt.f32 v37, v1;
	v36 =	vsub.f32 v21, v43;
	v32 =	vadd.f32 v32, v41;
	(pc) =	sbr.rel @p0 .LBB2_2-.Ltmp0, $4  }
0xae: {  	v0 =	vsel vm4, s19, v0;
	s19 =	sadd.s32 $0xFFFFFFFC, s14;
	v1 =	vsel vm3, v37, v1;
	v31 =	vadd.f32 v38, v31  }
0xaf: {  	v0 =	vsel vm5, s19, v0;
	s19 =	sadd.s32 $0xFFFFFFFD, s14;
	v37 =	vperm.xlane v35, v19;
	v36 =	vmul.f32 v36, v36  }
0xb0: {  	v35 =	vsel vm6, s19, v0;
	vm4 =	vlt.f32 v46, v1;
	v41 =	vsub.f32 v21, v40  }
0xb1: {  	s17 =	sadd.s32 $0x10, s17;
	s18 =	sadd.s32 $0x10, s18;
	s19 =	sadd.s32 $0xFFFFFFFE, s14;
	v42 =	vsel vm4, v46, v1;
	v40 =	vmul.f32 v44, v44;
	v37 =	vsub.f32 v21, v37  }
0xb2: {  	vm5 =	vlt.f32 v30, v42  }
0xb3: {  	v0 =	vsel vm5, v30, v42  }
0xb4: {  	vm6 =	vlt.f32 v39, v0  }
0xb5: {  	v0 =	vsel vm6, v39, v0  }
0xb6: {  	v1 =	vmul.f32 v41, v41;
	vm7 =	vlt.f32 v25, v0  }
0xb7: {  	v0 =	vsel vm7, v25, v0  }
0xb8: {  	v1 =	vadd.f32 v1, v24;
	vm8 =	vlt.f32 v34, v0  }
0xb9: {  	v0 =	vsel vm8, v34, v0  }
0xba: {  	vm9 =	vlt.f32 v1, v0  }
0xbb: {  	v0 =	vsel vm9, v1, v0  }
0xbc: {  	vm10 =	vlt.f32 v22, v0  }
0xbd: {  	v1 =	vsel vm1, s19, v35;
	v0 =	vsel vm10, v22, v0  }
0xbe: {  	v1 =	vsel vm2, s15, v1;
	vm1 =	vlt.f32 v23, v0  }
0xbf: {  	s17 =	sadd.s32 $0xFFFFFFF1, s12;
	v1 =	vsel vm3, s14, v1;
	v0 =	vsel vm1, v23, v0  }
0xc0: {  	s18 =	sadd.s32 $0xFFFFFFF2, s12;
	v1 =	vsel vm4, s17, v1;
	vm2 =	vlt.f32 v26, v0  }
0xc1: {  	s19 =	sadd.s32 $0xFFFFFFF3, s12;
	v1 =	vsel vm5, s18, v1;
	v0 =	vsel vm2, v26, v0  }
0xc2: {  	s20 =	sadd.s32 $0xFFFFFFF4, s12;
	v1 =	vsel vm6, s19, v1;
	vm3 =	vlt.f32 v27, v0  }
0xc3: {  	s21 =	sadd.s32 $0xFFFFFFF5, s12;
	v1 =	vsel vm7, s20, v1;
	v0 =	vsel vm3, v27, v0  }
0xc4: {  	s22 =	sadd.s32 $0xFFFFFFF6, s12;
	v1 =	vsel vm8, s21, v1;
	vm14 =	vlt.f32 v33, v0  }
0xc5: {  	s23 =	sadd.s32 $0xFFFFFFF7, s12;
	v1 =	vsel vm9, s22, v1;
	v0 =	vsel vm14, v33, v0  }
0xc6: {  	s24 =	sadd.s32 $0xFFFFFFF8, s12;
	v1 =	vsel vm10, s23, v1;
	vm15 =	vlt.f32 v28, v0  }
0xc7: {  	s25 =	sadd.s32 $0xFFFFFFF9, s12;
	v1 =	vsel vm1, s24, v1;
	v0 =	vsel vm15, v28, v0  }
0xc8: {  	v20 =	vmul.f32 v29, v29;
	s26 =	sadd.s32 $0xFFFFFFFA, s12;
	v1 =	vsel vm2, s25, v1;
	vm1 =	vlt.f32 v32, v0  }
0xc9: {  	s28 =	sadd.s32 $0xFFFFFFFB, s12;
	v21 =	vadd.f32 v36, v40;
	v1 =	vsel vm3, s26, v1;
	v0 =	vsel vm1, v32, v0  }
0xca: {  	s29 =	sadd.s32 $0xFFFFFFFC, s12;
	v63 =	vmul.f32 v37, v37;
	v1 =	vsel vm14, s28, v1;
	vm2 =	vlt.f32 v31, v0  }
0xcb: {  	s30 =	sadd.s32 $0xFFFFFFFD, s12;
	v1 =	vsel vm15, s29, v1;
	v0 =	vsel vm2, v31, v0  }
0xcc: {  	s31 =	sadd.s32 $0xFFFFFFFE, s12;
	v20 =	vadd.f32 v63, v20;
	v1 =	vsel vm1, s30, v1;
	vm3 =	vlt.f32 v21, v0  }
0xcd: {  	v1 =	vsel vm2, s31, v1;
	v0 =	vsel vm3, v21, v0  }
0xce: {  	s11 =	sadd.s32 $0x1, s11;
	vm1 =	vlt.f32 v20, v0;
	v0 =	vsel vm3, s13, v1  }
0xcf: {  	p0 =	sne.s32 s11, s7;
	v0 =	vsel vm1, s12, v0  }
.Ltmp1:
0xd0: {  	[tilespmem:$0x280] =	vst v0;
	(pc) =	sbr.rel @p0 .LBB2_1-.Ltmp1, $4  }
0xd1: {  	[hbm4b:s6+s2] =	stream.linear.scatter [tilespmem:s9], [sflag:$0x2], $0x10, $0x38;
	[tilespmem:$0x300] =	vst v63  }
0xd2: {  	_ =	swait.ge [sflag:s10], $0x10  }
0xd3: {  	[sflag:s10] =	ssyncset.done $0x0  }
0xd4: {  	[sflag:s10] =	ssyncadd.s32 $0xFFFFFFF0  }
0xd5: {  	_ =	sfence.sel $0x180000  }
0xd6: {  	[bflag:$0x0] =	sbarrier.arrive $0xFFFF  }
0xd7: {  	p0 =	sne.s32 s1, $0x0;
	_ =	strace $0x90000047  }
0xd8: {  	s0 =	sadd.s32 @!p0 $0x100000, s0;
	[bflag:$0x2] =	sbarrier.arrive $0xFFFF  }
0xd9: {  	[sflag:s0] =	ssyncadd.tile.s32 @!p0 $0x1;
	_ =	shalt  }
.Lfunc_end2:
_tile_overlayer_lowered:
.L_overlay_start_2:
0xda: {  	(tag) =	ssettag $0x2  }
0xdb: {  	s0 =	rddreg [dreg:$0x0];
	s2 =	stileid.u32  }
0xdc: {  	s1 =	rddreg [dreg:$0x1];
	p0 =	sne.s32 s2, $0x0  }
0xdd: {  	s3 =	rddreg [dreg:$0x2];
	[bflag:$0x3] =	sbarrier.arrive $0xFFFF;
	s2 =	simm.s32 @!p0 $0x1C02  }
0xde: {  	[timem:s3], [sflag:s2] =	dma.local @!p0 [hbm:s0], s1  }
0xdf: {  	s0 =	simm.s32 @!p0 $0x2  }
0xe0: {  	_ =	swait.ge @!p0 [sflag:s0], s1  }
0xe1: {  	s1 =	ssub.s32 @!p0 $0x0, s1;
	[sflag:s0] =	ssyncset.done @!p0 $0x0  }
0xe2: {  	[sflag:s0] =	ssyncadd.s32 @!p0 s1  }
0xe3: {  	[bflag:$0x3] =	sbarrier.arrive $0xFFFF  }
0xe4: {  	_ =	shalt  }

</sc_bundles>
